<compile_context>
chip_gen: v7x
topology: tpu7x:2x2x1
jax: 0.10.2.dev20260603
libtpu: 0.0.44.dev20260713+nightly
codegen_flags: <defaults>
</compile_context>

<pallas_src>
import functools

import jax
import jax.numpy as jnp
from jax import lax
from jax.experimental import pallas as pl
from jax.experimental.pallas import tpu as pltpu
from jax.experimental.pallas import tpu_sc as plsc

_CHUNK = 224
_NBUF = 4


def _make_gather(n_sites, d_feat, n_points):
    info = plsc.get_sparse_core_info()
    nc, ns = info.num_cores, info.num_subcores
    nw = nc * ns

    chunk = _CHUNK
    nbuf = _NBUF
    per_w = -(-n_points // nw)
    per_w = -(-per_w // chunk) * chunk
    k = per_w // chunk

    mesh = plsc.VectorSubcoreMesh(core_axis_name="c", subcore_axis_name="s")

    scratch = [pltpu.VMEM((per_w,), jnp.int32)]
    scratch += [pltpu.VMEM((chunk, d_feat), jnp.float32)] * nbuf
    scratch += [pltpu.SemaphoreType.DMA] * (2 * nbuf)

    @functools.partial(
        pl.kernel,
        mesh=mesh,
        out_type=jax.ShapeDtypeStruct((n_points, d_feat), jnp.float32),
        scratch_types=scratch,
    )
    def gather_kernel(table_hbm, idx_hbm, out_hbm, idx_v, *bufs_sems):
        rows_v = bufs_sems[:nbuf]
        gsem = bufs_sems[nbuf:2 * nbuf]
        ssem = bufs_sems[2 * nbuf:]
        wid = lax.axis_index("s") * nc + lax.axis_index("c")
        base = jnp.minimum(wid * per_w, n_points - per_w)

        pltpu.sync_copy(idx_hbm.at[pl.ds(base, per_w)], idx_v)

        look = nbuf // 2
        gathers = [None] * nbuf
        stores = [None] * nbuf
        for j in range(min(look, k)):
            gathers[j] = pltpu.async_copy(
                table_hbm.at[idx_v.at[pl.ds(j * chunk, chunk)]],
                rows_v[j], gsem[j])
        for j in range(k):
            p = j % nbuf
            jn = j + look
            if jn < k:
                q = jn % nbuf
                if stores[q] is not None:
                    stores[q].wait()
                gathers[q] = pltpu.async_copy(
                    table_hbm.at[idx_v.at[pl.ds(jn * chunk, chunk)]],
                    rows_v[q], gsem[q])
            gathers[p].wait()
            stores[p] = pltpu.async_copy(
                rows_v[p], out_hbm.at[pl.ds(base + j * chunk, chunk)],
                ssem[p])
        for j in range(max(0, k - nbuf), k):
            if stores[j % nbuf] is not None:
                stores[j % nbuf].wait()

    return gather_kernel


def kernel(features, point_to_site):
    n_sites, d_feat = features.shape
    (n_points,) = point_to_site.shape
    return _make_gather(n_sites, d_feat, n_points)(features, point_to_site)

# --- scband reference (transcript-rebuilt; emitter-appended) ---
"""Pipeline reference for scband-output-layer-89069031785170 (READ-ONLY COPY).

The authoritative reference and input builder live on the scoring server;
editing this copy changes nothing except your own understanding.
"""

import jax, jax.numpy as jnp
import numpy as np

N_POINTS = 100000
N_SITES = 50000
D_FEAT = 128

def setup_inputs(seed: int = 0) -> dict:
    key = jax.random.key(seed)
    k1, k2 = jax.random.split(key)
    # Features at the active sites produced by the sparse conv network
    features = jax.random.normal(k1, (N_SITES, D_FEAT), dtype=jnp.float32)
    # The InputLayer's metadata records, for each of the N original input
    # points, which active site it was merged into. OutputLayer replays this
    # mapping: output[i] = features[point_to_site[i]].
    point_to_site = jax.random.randint(k2, (N_POINTS,), 0, N_SITES, dtype=jnp.int32)
    return {"features": features, "point_to_site": point_to_site}

def reference(features, point_to_site):
    # SCN.OutputLayer_updateOutput: gather active-site features back to the
    # original N x n_feature_planes dense ordering defined by the InputLayer.
    output = jnp.take(features, point_to_site, axis=0)
    return output

if __name__ == "__main__":
    import jax
    _d = setup_inputs()
    print(jax.jit(kernel)(*tuple(_d.values())))

</pallas_src>

<mosaic_0001>
#map = affine_map<(d0, d1) -> (0, 0)>
#map1 = affine_map<(d0, d1) -> (0)>
module attributes {stable_mosaic.version = 14 : i64} {
  func.func @gather_kernel(%arg0: i32, %arg1: i32, %arg2: memref<50000x128xf32, #tpu.memory_space<hbm>>, %arg3: memref<100000xi32, #tpu.memory_space<hbm>>, %arg4: memref<100000x128xf32, #tpu.memory_space<hbm>>, %arg5: memref<3136xi32, #tpu.memory_space<vmem>>, %arg6: memref<224x128xf32, #tpu.memory_space<vmem>>, %arg7: memref<224x128xf32, #tpu.memory_space<vmem>>, %arg8: memref<224x128xf32, #tpu.memory_space<vmem>>, %arg9: memref<224x128xf32, #tpu.memory_space<vmem>>, %arg10: memref<!tpu.dma_semaphore, #tpu.memory_space<semaphore_mem>>, %arg11: memref<!tpu.dma_semaphore, #tpu.memory_space<semaphore_mem>>, %arg12: memref<!tpu.dma_semaphore, #tpu.memory_space<semaphore_mem>>, %arg13: memref<!tpu.dma_semaphore, #tpu.memory_space<semaphore_mem>>, %arg14: memref<!tpu.dma_semaphore, #tpu.memory_space<semaphore_mem>>, %arg15: memref<!tpu.dma_semaphore, #tpu.memory_space<semaphore_mem>>, %arg16: memref<!tpu.dma_semaphore, #tpu.memory_space<semaphore_mem>>, %arg17: memref<!tpu.dma_semaphore, #tpu.memory_space<semaphore_mem>>) attributes {dimension_semantics = [#tpu.dimension_semantics<core_parallel>, #tpu.dimension_semantics<subcore_parallel>], iteration_bounds = array<i64: 2, 16>, scalar_prefetch = 0 : i64, scratch_operands = 13 : i64, tpu.core_type = #tpu.core_type<sc_vector_subcore>, window_params = [{transform_indices = #map}, {transform_indices = #map1}, {transform_indices = #map}]} {
    %mul3A = arith.constant 2 : i32
    %mul3A_0 = arith.muli %arg1, %mul3A : i32
    %add3A = arith.addi %mul3A_0, %arg0 : i32
    %mul3A_1 = arith.constant 3136 : i32
    %mul3A_2 = arith.muli %add3A, %mul3A_1 : i32
    %min3A = arith.constant 96864 : i32
    %min3A_3 = arith.minsi %mul3A_2, %min3A : i32
    "tpu.region"() ({
      %run_scoped3A = tpu.sem_alloc : memref<!tpu.dma_semaphore, #tpu.memory_space<semaphore_mem>>
      %dma_start3A_282 = tpu.memref_slice %arg3[%min3A_3] : memref<100000xi32, #tpu.memory_space<hbm>> -> memref<3136xi32, #tpu.memory_space<hbm>>
      %dma_start3A_283 = tpu.memref_slice %arg3[%min3A_3] : memref<100000xi32, #tpu.memory_space<hbm>> -> memref<3136xi32, #tpu.memory_space<hbm>>
      tpu.enqueue_dma source(%dma_start3A_283 : memref<3136xi32, #tpu.memory_space<hbm>>) target(%arg5 : memref<3136xi32, #tpu.memory_space<vmem>>) target_semaphore(%run_scoped3A : memref<!tpu.dma_semaphore, #tpu.memory_space<semaphore_mem>>)
      %dma_wait3A_284 = tpu.memref_slice %arg3[%min3A_3] : memref<100000xi32, #tpu.memory_space<hbm>> -> memref<3136xi32, #tpu.memory_space<hbm>>
      %dma_wait3A_285 = tpu.memref_slice %arg3[%min3A_3] : memref<100000xi32, #tpu.memory_space<hbm>> -> memref<3136xi32, #tpu.memory_space<hbm>>
      tpu.wait_dma2 semaphore(%run_scoped3A : memref<!tpu.dma_semaphore, #tpu.memory_space<semaphore_mem>>) src(%dma_wait3A_285 : memref<3136xi32, #tpu.memory_space<hbm>>) dst(%arg5 : memref<3136xi32, #tpu.memory_space<vmem>>)
      tpu.yield
    }) : () -> ()
    %dma_start3A = arith.constant 0 : i32
    %dma_start3A_4 = tpu.memref_slice %arg5[%dma_start3A] : memref<3136xi32, #tpu.memory_space<vmem>> -> memref<224xi32, #tpu.memory_space<vmem>>
    %dma_start3A_5 = arith.constant 0 : i32
    %dma_start3A_6 = arith.constant 0 : i32
    %dma_start3A_7 = tpu.memref_slice %arg2[%dma_start3A_5, %dma_start3A_6] : memref<50000x128xf32, #tpu.memory_space<hbm>> -> memref<50000x128xf32, #tpu.memory_space<hbm>>
    tpu.enqueue_indirect_dma source(%dma_start3A_7 : memref<50000x128xf32, #tpu.memory_space<hbm>>) target(%arg6 : memref<224x128xf32, #tpu.memory_space<vmem>>) offsets(%dma_start3A_4 : memref<224xi32, #tpu.memory_space<vmem>>) semaphore(%arg10 : memref<!tpu.dma_semaphore, #tpu.memory_space<semaphore_mem>>)
    %dma_start3A_8 = arith.constant 224 : i32
    %dma_start3A_9 = tpu.memref_slice %arg5[%dma_start3A_8] : memref<3136xi32, #tpu.memory_space<vmem>> -> memref<224xi32, #tpu.memory_space<vmem>>
    %dma_start3A_10 = arith.constant 0 : i32
    %dma_start3A_11 = arith.constant 0 : i32
    %dma_start3A_12 = tpu.memref_slice %arg2[%dma_start3A_10, %dma_start3A_11] : memref<50000x128xf32, #tpu.memory_space<hbm>> -> memref<50000x128xf32, #tpu.memory_space<hbm>>
    tpu.enqueue_indirect_dma source(%dma_start3A_12 : memref<50000x128xf32, #tpu.memory_space<hbm>>) target(%arg7 : memref<224x128xf32, #tpu.memory_space<vmem>>) offsets(%dma_start3A_9 : memref<224xi32, #tpu.memory_space<vmem>>) semaphore(%arg11 : memref<!tpu.dma_semaphore, #tpu.memory_space<semaphore_mem>>)
    %dma_start3A_13 = arith.constant 448 : i32
    %dma_start3A_14 = tpu.memref_slice %arg5[%dma_start3A_13] : memref<3136xi32, #tpu.memory_space<vmem>> -> memref<224xi32, #tpu.memory_space<vmem>>
    %dma_start3A_15 = arith.constant 0 : i32
    %dma_start3A_16 = arith.constant 0 : i32
    %dma_start3A_17 = tpu.memref_slice %arg2[%dma_start3A_15, %dma_start3A_16] : memref<50000x128xf32, #tpu.memory_space<hbm>> -> memref<50000x128xf32, #tpu.memory_space<hbm>>
    tpu.enqueue_indirect_dma source(%dma_start3A_17 : memref<50000x128xf32, #tpu.memory_space<hbm>>) target(%arg8 : memref<224x128xf32, #tpu.memory_space<vmem>>) offsets(%dma_start3A_14 : memref<224xi32, #tpu.memory_space<vmem>>) semaphore(%arg12 : memref<!tpu.dma_semaphore, #tpu.memory_space<semaphore_mem>>)
    %dma_wait3A = arith.constant 0 : i32
    %dma_wait3A_18 = tpu.memref_slice %arg5[%dma_wait3A] : memref<3136xi32, #tpu.memory_space<vmem>> -> memref<224xi32, #tpu.memory_space<vmem>>
    %dma_wait3A_19 = arith.constant 0 : i32
    %dma_wait3A_20 = arith.constant 0 : i32
    %dma_wait3A_21 = tpu.memref_slice %arg2[%dma_wait3A_19, %dma_wait3A_20] : memref<50000x128xf32, #tpu.memory_space<hbm>> -> memref<50000x128xf32, #tpu.memory_space<hbm>>
    tpu.wait_indirect_dma semaphore(%arg10 : memref<!tpu.dma_semaphore, #tpu.memory_space<semaphore_mem>>) src(%dma_wait3A_21 : memref<50000x128xf32, #tpu.memory_space<hbm>>) dst(%arg6 : memref<224x128xf32, #tpu.memory_space<vmem>>)
    %add3A_22 = arith.constant 0 : i32
    %add3A_23 = arith.addi %min3A_3, %add3A_22 : i32
    %dma_start3A_24 = arith.constant 0 : i32
    %dma_start3A_25 = tpu.memref_slice %arg4[%add3A_23, %dma_start3A_24] : memref<100000x128xf32, #tpu.memory_space<hbm>> -> memref<224x128xf32, #tpu.memory_space<hbm>>
    %dma_start3A_26 = arith.constant 0 : i32
    %dma_start3A_27 = tpu.memref_slice %arg4[%add3A_23, %dma_start3A_26] : memref<100000x128xf32, #tpu.memory_space<hbm>> -> memref<224x128xf32, #tpu.memory_space<hbm>>
    tpu.enqueue_dma source(%arg6 : memref<224x128xf32, #tpu.memory_space<vmem>>) target(%dma_start3A_27 : memref<224x128xf32, #tpu.memory_space<hbm>>) target_semaphore(%arg14 : memref<!tpu.dma_semaphore, #tpu.memory_space<semaphore_mem>>)
    %dma_start3A_28 = arith.constant 672 : i32
    %dma_start3A_29 = tpu.memref_slice %arg5[%dma_start3A_28] : memref<3136xi32, #tpu.memory_space<vmem>> -> memref<224xi32, #tpu.memory_space<vmem>>
    %dma_start3A_30 = arith.constant 0 : i32
    %dma_start3A_31 = arith.constant 0 : i32
    %dma_start3A_32 = tpu.memref_slice %arg2[%dma_start3A_30, %dma_start3A_31] : memref<50000x128xf32, #tpu.memory_space<hbm>> -> memref<50000x128xf32, #tpu.memory_space<hbm>>
    tpu.enqueue_indirect_dma source(%dma_start3A_32 : memref<50000x128xf32, #tpu.memory_space<hbm>>) target(%arg9 : memref<224x128xf32, #tpu.memory_space<vmem>>) offsets(%dma_start3A_29 : memref<224xi32, #tpu.memory_space<vmem>>) semaphore(%arg13 : memref<!tpu.dma_semaphore, #tpu.memory_space<semaphore_mem>>)
    %dma_wait3A_33 = arith.constant 224 : i32
    %dma_wait3A_34 = tpu.memref_slice %arg5[%dma_wait3A_33] : memref<3136xi32, #tpu.memory_space<vmem>> -> memref<224xi32, #tpu.memory_space<vmem>>
    %dma_wait3A_35 = arith.constant 0 : i32
    %dma_wait3A_36 = arith.constant 0 : i32
    %dma_wait3A_37 = tpu.memref_slice %arg2[%dma_wait3A_35, %dma_wait3A_36] : memref<50000x128xf32, #tpu.memory_space<hbm>> -> memref<50000x128xf32, #tpu.memory_space<hbm>>
    tpu.wait_indirect_dma semaphore(%arg11 : memref<!tpu.dma_semaphore, #tpu.memory_space<semaphore_mem>>) src(%dma_wait3A_37 : memref<50000x128xf32, #tpu.memory_space<hbm>>) dst(%arg7 : memref<224x128xf32, #tpu.memory_space<vmem>>)
    %add3A_38 = arith.constant 224 : i32
    %add3A_39 = arith.addi %min3A_3, %add3A_38 : i32
    %dma_start3A_40 = arith.constant 0 : i32
    %dma_start3A_41 = tpu.memref_slice %arg4[%add3A_39, %dma_start3A_40] : memref<100000x128xf32, #tpu.memory_space<hbm>> -> memref<224x128xf32, #tpu.memory_space<hbm>>
    %dma_start3A_42 = arith.constant 0 : i32
    %dma_start3A_43 = tpu.memref_slice %arg4[%add3A_39, %dma_start3A_42] : memref<100000x128xf32, #tpu.memory_space<hbm>> -> memref<224x128xf32, #tpu.memory_space<hbm>>
    tpu.enqueue_dma source(%arg7 : memref<224x128xf32, #tpu.memory_space<vmem>>) target(%dma_start3A_43 : memref<224x128xf32, #tpu.memory_space<hbm>>) target_semaphore(%arg15 : memref<!tpu.dma_semaphore, #tpu.memory_space<semaphore_mem>>)
    %dma_wait3A_44 = arith.constant 0 : i32
    %dma_wait3A_45 = tpu.memref_slice %arg4[%add3A_23, %dma_wait3A_44] : memref<100000x128xf32, #tpu.memory_space<hbm>> -> memref<224x128xf32, #tpu.memory_space<hbm>>
    %dma_wait3A_46 = arith.constant 0 : i32
    %dma_wait3A_47 = tpu.memref_slice %arg4[%add3A_23, %dma_wait3A_46] : memref<100000x128xf32, #tpu.memory_space<hbm>> -> memref<224x128xf32, #tpu.memory_space<hbm>>
    tpu.wait_dma2 semaphore(%arg14 : memref<!tpu.dma_semaphore, #tpu.memory_space<semaphore_mem>>) src(%arg6 : memref<224x128xf32, #tpu.memory_space<vmem>>) dst(%dma_wait3A_47 : memref<224x128xf32, #tpu.memory_space<hbm>>)
    %dma_start3A_48 = arith.constant 896 : i32
    %dma_start3A_49 = tpu.memref_slice %arg5[%dma_start3A_48] : memref<3136xi32, #tpu.memory_space<vmem>> -> memref<224xi32, #tpu.memory_space<vmem>>
    %dma_start3A_50 = arith.constant 0 : i32
    %dma_start3A_51 = arith.constant 0 : i32
    %dma_start3A_52 = tpu.memref_slice %arg2[%dma_start3A_50, %dma_start3A_51] : memref<50000x128xf32, #tpu.memory_space<hbm>> -> memref<50000x128xf32, #tpu.memory_space<hbm>>
    tpu.enqueue_indirect_dma source(%dma_start3A_52 : memref<50000x128xf32, #tpu.memory_space<hbm>>) target(%arg6 : memref<224x128xf32, #tpu.memory_space<vmem>>) offsets(%dma_start3A_49 : memref<224xi32, #tpu.memory_space<vmem>>) semaphore(%arg10 : memref<!tpu.dma_semaphore, #tpu.memory_space<semaphore_mem>>)
    %dma_wait3A_53 = arith.constant 448 : i32
    %dma_wait3A_54 = tpu.memref_slice %arg5[%dma_wait3A_53] : memref<3136xi32, #tpu.memory_space<vmem>> -> memref<224xi32, #tpu.memory_space<vmem>>
    %dma_wait3A_55 = arith.constant 0 : i32
    %dma_wait3A_56 = arith.constant 0 : i32
    %dma_wait3A_57 = tpu.memref_slice %arg2[%dma_wait3A_55, %dma_wait3A_56] : memref<50000x128xf32, #tpu.memory_space<hbm>> -> memref<50000x128xf32, #tpu.memory_space<hbm>>
    tpu.wait_indirect_dma semaphore(%arg12 : memref<!tpu.dma_semaphore, #tpu.memory_space<semaphore_mem>>) src(%dma_wait3A_57 : memref<50000x128xf32, #tpu.memory_space<hbm>>) dst(%arg8 : memref<224x128xf32, #tpu.memory_space<vmem>>)
    %add3A_58 = arith.constant 448 : i32
    %add3A_59 = arith.addi %min3A_3, %add3A_58 : i32
    %dma_start3A_60 = arith.constant 0 : i32
    %dma_start3A_61 = tpu.memref_slice %arg4[%add3A_59, %dma_start3A_60] : memref<100000x128xf32, #tpu.memory_space<hbm>> -> memref<224x128xf32, #tpu.memory_space<hbm>>
    %dma_start3A_62 = arith.constant 0 : i32
    %dma_start3A_63 = tpu.memref_slice %arg4[%add3A_59, %dma_start3A_62] : memref<100000x128xf32, #tpu.memory_space<hbm>> -> memref<224x128xf32, #tpu.memory_space<hbm>>
    tpu.enqueue_dma source(%arg8 : memref<224x128xf32, #tpu.memory_space<vmem>>) target(%dma_start3A_63 : memref<224x128xf32, #tpu.memory_space<hbm>>) target_semaphore(%arg16 : memref<!tpu.dma_semaphore, #tpu.memory_space<semaphore_mem>>)
    %dma_wait3A_64 = arith.constant 0 : i32
    %dma_wait3A_65 = tpu.memref_slice %arg4[%add3A_39, %dma_wait3A_64] : memref<100000x128xf32, #tpu.memory_space<hbm>> -> memref<224x128xf32, #tpu.memory_space<hbm>>
    %dma_wait3A_66 = arith.constant 0 : i32
    %dma_wait3A_67 = tpu.memref_slice %arg4[%add3A_39, %dma_wait3A_66] : memref<100000x128xf32, #tpu.memory_space<hbm>> -> memref<224x128xf32, #tpu.memory_space<hbm>>
    tpu.wait_dma2 semaphore(%arg15 : memref<!tpu.dma_semaphore, #tpu.memory_space<semaphore_mem>>) src(%arg7 : memref<224x128xf32, #tpu.memory_space<vmem>>) dst(%dma_wait3A_67 : memref<224x128xf32, #tpu.memory_space<hbm>>)
    %dma_start3A_68 = arith.constant 1120 : i32
    %dma_start3A_69 = tpu.memref_slice %arg5[%dma_start3A_68] : memref<3136xi32, #tpu.memory_space<vmem>> -> memref<224xi32, #tpu.memory_space<vmem>>
    %dma_start3A_70 = arith.constant 0 : i32
    %dma_start3A_71 = arith.constant 0 : i32
    %dma_start3A_72 = tpu.memref_slice %arg2[%dma_start3A_70, %dma_start3A_71] : memref<50000x128xf32, #tpu.memory_space<hbm>> -> memref<50000x128xf32, #tpu.memory_space<hbm>>
    tpu.enqueue_indirect_dma source(%dma_start3A_72 : memref<50000x128xf32, #tpu.memory_space<hbm>>) target(%arg7 : memref<224x128xf32, #tpu.memory_space<vmem>>) offsets(%dma_start3A_69 : memref<224xi32, #tpu.memory_space<vmem>>) semaphore(%arg11 : memref<!tpu.dma_semaphore, #tpu.memory_space<semaphore_mem>>)
    %dma_wait3A_73 = arith.constant 672 : i32
    %dma_wait3A_74 = tpu.memref_slice %arg5[%dma_wait3A_73] : memref<3136xi32, #tpu.memory_space<vmem>> -> memref<224xi32, #tpu.memory_space<vmem>>
    %dma_wait3A_75 = arith.constant 0 : i32
    %dma_wait3A_76 = arith.constant 0 : i32
    %dma_wait3A_77 = tpu.memref_slice %arg2[%dma_wait3A_75, %dma_wait3A_76] : memref<50000x128xf32, #tpu.memory_space<hbm>> -> memref<50000x128xf32, #tpu.memory_space<hbm>>
    tpu.wait_indirect_dma semaphore(%arg13 : memref<!tpu.dma_semaphore, #tpu.memory_space<semaphore_mem>>) src(%dma_wait3A_77 : memref<50000x128xf32, #tpu.memory_space<hbm>>) dst(%arg9 : memref<224x128xf32, #tpu.memory_space<vmem>>)
    %add3A_78 = arith.constant 672 : i32
    %add3A_79 = arith.addi %min3A_3, %add3A_78 : i32
    %dma_start3A_80 = arith.constant 0 : i32
    %dma_start3A_81 = tpu.memref_slice %arg4[%add3A_79, %dma_start3A_80] : memref<100000x128xf32, #tpu.memory_space<hbm>> -> memref<224x128xf32, #tpu.memory_space<hbm>>
    %dma_start3A_82 = arith.constant 0 : i32
    %dma_start3A_83 = tpu.memref_slice %arg4[%add3A_79, %dma_start3A_82] : memref<100000x128xf32, #tpu.memory_space<hbm>> -> memref<224x128xf32, #tpu.memory_space<hbm>>
    tpu.enqueue_dma source(%arg9 : memref<224x128xf32, #tpu.memory_space<vmem>>) target(%dma_start3A_83 : memref<224x128xf32, #tpu.memory_space<hbm>>) target_semaphore(%arg17 : memref<!tpu.dma_semaphore, #tpu.memory_space<semaphore_mem>>)
    %dma_wait3A_84 = arith.constant 0 : i32
    %dma_wait3A_85 = tpu.memref_slice %arg4[%add3A_59, %dma_wait3A_84] : memref<100000x128xf32, #tpu.memory_space<hbm>> -> memref<224x128xf32, #tpu.memory_space<hbm>>
    %dma_wait3A_86 = arith.constant 0 : i32
    %dma_wait3A_87 = tpu.memref_slice %arg4[%add3A_59, %dma_wait3A_86] : memref<100000x128xf32, #tpu.memory_space<hbm>> -> memref<224x128xf32, #tpu.memory_space<hbm>>
    tpu.wait_dma2 semaphore(%arg16 : memref<!tpu.dma_semaphore, #tpu.memory_space<semaphore_mem>>) src(%arg8 : memref<224x128xf32, #tpu.memory_space<vmem>>) dst(%dma_wait3A_87 : memref<224x128xf32, #tpu.memory_space<hbm>>)
    %dma_start3A_88 = arith.constant 1344 : i32
    %dma_start3A_89 = tpu.memref_slice %arg5[%dma_start3A_88] : memref<3136xi32, #tpu.memory_space<vmem>> -> memref<224xi32, #tpu.memory_space<vmem>>
    %dma_start3A_90 = arith.constant 0 : i32
    %dma_start3A_91 = arith.constant 0 : i32
    %dma_start3A_92 = tpu.memref_slice %arg2[%dma_start3A_90, %dma_start3A_91] : memref<50000x128xf32, #tpu.memory_space<hbm>> -> memref<50000x128xf32, #tpu.memory_space<hbm>>
    tpu.enqueue_indirect_dma source(%dma_start3A_92 : memref<50000x128xf32, #tpu.memory_space<hbm>>) target(%arg8 : memref<224x128xf32, #tpu.memory_space<vmem>>) offsets(%dma_start3A_89 : memref<224xi32, #tpu.memory_space<vmem>>) semaphore(%arg12 : memref<!tpu.dma_semaphore, #tpu.memory_space<semaphore_mem>>)
    %dma_wait3A_93 = arith.constant 896 : i32
    %dma_wait3A_94 = tpu.memref_slice %arg5[%dma_wait3A_93] : memref<3136xi32, #tpu.memory_space<vmem>> -> memref<224xi32, #tpu.memory_space<vmem>>
    %dma_wait3A_95 = arith.constant 0 : i32
    %dma_wait3A_96 = arith.constant 0 : i32
    %dma_wait3A_97 = tpu.memref_slice %arg2[%dma_wait3A_95, %dma_wait3A_96] : memref<50000x128xf32, #tpu.memory_space<hbm>> -> memref<50000x128xf32, #tpu.memory_space<hbm>>
    tpu.wait_indirect_dma semaphore(%arg10 : memref<!tpu.dma_semaphore, #tpu.memory_space<semaphore_mem>>) src(%dma_wait3A_97 : memref<50000x128xf32, #tpu.memory_space<hbm>>) dst(%arg6 : memref<224x128xf32, #tpu.memory_space<vmem>>)
    %add3A_98 = arith.constant 896 : i32
    %add3A_99 = arith.addi %min3A_3, %add3A_98 : i32
    %dma_start3A_100 = arith.constant 0 : i32
    %dma_start3A_101 = tpu.memref_slice %arg4[%add3A_99, %dma_start3A_100] : memref<100000x128xf32, #tpu.memory_space<hbm>> -> memref<224x128xf32, #tpu.memory_space<hbm>>
    %dma_start3A_102 = arith.constant 0 : i32
    %dma_start3A_103 = tpu.memref_slice %arg4[%add3A_99, %dma_start3A_102] : memref<100000x128xf32, #tpu.memory_space<hbm>> -> memref<224x128xf32, #tpu.memory_space<hbm>>
    tpu.enqueue_dma source(%arg6 : memref<224x128xf32, #tpu.memory_space<vmem>>) target(%dma_start3A_103 : memref<224x128xf32, #tpu.memory_space<hbm>>) target_semaphore(%arg14 : memref<!tpu.dma_semaphore, #tpu.memory_space<semaphore_mem>>)
    %dma_wait3A_104 = arith.constant 0 : i32
    %dma_wait3A_105 = tpu.memref_slice %arg4[%add3A_79, %dma_wait3A_104] : memref<100000x128xf32, #tpu.memory_space<hbm>> -> memref<224x128xf32, #tpu.memory_space<hbm>>
    %dma_wait3A_106 = arith.constant 0 : i32
    %dma_wait3A_107 = tpu.memref_slice %arg4[%add3A_79, %dma_wait3A_106] : memref<100000x128xf32, #tpu.memory_space<hbm>> -> memref<224x128xf32, #tpu.memory_space<hbm>>
    tpu.wait_dma2 semaphore(%arg17 : memref<!tpu.dma_semaphore, #tpu.memory_space<semaphore_mem>>) src(%arg9 : memref<224x128xf32, #tpu.memory_space<vmem>>) dst(%dma_wait3A_107 : memref<224x128xf32, #tpu.memory_space<hbm>>)
    %dma_start3A_108 = arith.constant 1568 : i32
    %dma_start3A_109 = tpu.memref_slice %arg5[%dma_start3A_108] : memref<3136xi32, #tpu.memory_space<vmem>> -> memref<224xi32, #tpu.memory_space<vmem>>
    %dma_start3A_110 = arith.constant 0 : i32
    %dma_start3A_111 = arith.constant 0 : i32
    %dma_start3A_112 = tpu.memref_slice %arg2[%dma_start3A_110, %dma_start3A_111] : memref<50000x128xf32, #tpu.memory_space<hbm>> -> memref<50000x128xf32, #tpu.memory_space<hbm>>
    tpu.enqueue_indirect_dma source(%dma_start3A_112 : memref<50000x128xf32, #tpu.memory_space<hbm>>) target(%arg9 : memref<224x128xf32, #tpu.memory_space<vmem>>) offsets(%dma_start3A_109 : memref<224xi32, #tpu.memory_space<vmem>>) semaphore(%arg13 : memref<!tpu.dma_semaphore, #tpu.memory_space<semaphore_mem>>)
    %dma_wait3A_113 = arith.constant 1120 : i32
    %dma_wait3A_114 = tpu.memref_slice %arg5[%dma_wait3A_113] : memref<3136xi32, #tpu.memory_space<vmem>> -> memref<224xi32, #tpu.memory_space<vmem>>
    %dma_wait3A_115 = arith.constant 0 : i32
    %dma_wait3A_116 = arith.constant 0 : i32
    %dma_wait3A_117 = tpu.memref_slice %arg2[%dma_wait3A_115, %dma_wait3A_116] : memref<50000x128xf32, #tpu.memory_space<hbm>> -> memref<50000x128xf32, #tpu.memory_space<hbm>>
    tpu.wait_indirect_dma semaphore(%arg11 : memref<!tpu.dma_semaphore, #tpu.memory_space<semaphore_mem>>) src(%dma_wait3A_117 : memref<50000x128xf32, #tpu.memory_space<hbm>>) dst(%arg7 : memref<224x128xf32, #tpu.memory_space<vmem>>)
    %add3A_118 = arith.constant 1120 : i32
    %add3A_119 = arith.addi %min3A_3, %add3A_118 : i32
    %dma_start3A_120 = arith.constant 0 : i32
    %dma_start3A_121 = tpu.memref_slice %arg4[%add3A_119, %dma_start3A_120] : memref<100000x128xf32, #tpu.memory_space<hbm>> -> memref<224x128xf32, #tpu.memory_space<hbm>>
    %dma_start3A_122 = arith.constant 0 : i32
    %dma_start3A_123 = tpu.memref_slice %arg4[%add3A_119, %dma_start3A_122] : memref<100000x128xf32, #tpu.memory_space<hbm>> -> memref<224x128xf32, #tpu.memory_space<hbm>>
    tpu.enqueue_dma source(%arg7 : memref<224x128xf32, #tpu.memory_space<vmem>>) target(%dma_start3A_123 : memref<224x128xf32, #tpu.memory_space<hbm>>) target_semaphore(%arg15 : memref<!tpu.dma_semaphore, #tpu.memory_space<semaphore_mem>>)
    %dma_wait3A_124 = arith.constant 0 : i32
    %dma_wait3A_125 = tpu.memref_slice %arg4[%add3A_99, %dma_wait3A_124] : memref<100000x128xf32, #tpu.memory_space<hbm>> -> memref<224x128xf32, #tpu.memory_space<hbm>>
    %dma_wait3A_126 = arith.constant 0 : i32
    %dma_wait3A_127 = tpu.memref_slice %arg4[%add3A_99, %dma_wait3A_126] : memref<100000x128xf32, #tpu.memory_space<hbm>> -> memref<224x128xf32, #tpu.memory_space<hbm>>
    tpu.wait_dma2 semaphore(%arg14 : memref<!tpu.dma_semaphore, #tpu.memory_space<semaphore_mem>>) src(%arg6 : memref<224x128xf32, #tpu.memory_space<vmem>>) dst(%dma_wait3A_127 : memref<224x128xf32, #tpu.memory_space<hbm>>)
    %dma_start3A_128 = arith.constant 1792 : i32
    %dma_start3A_129 = tpu.memref_slice %arg5[%dma_start3A_128] : memref<3136xi32, #tpu.memory_space<vmem>> -> memref<224xi32, #tpu.memory_space<vmem>>
    %dma_start3A_130 = arith.constant 0 : i32
    %dma_start3A_131 = arith.constant 0 : i32
    %dma_start3A_132 = tpu.memref_slice %arg2[%dma_start3A_130, %dma_start3A_131] : memref<50000x128xf32, #tpu.memory_space<hbm>> -> memref<50000x128xf32, #tpu.memory_space<hbm>>
    tpu.enqueue_indirect_dma source(%dma_start3A_132 : memref<50000x128xf32, #tpu.memory_space<hbm>>) target(%arg6 : memref<224x128xf32, #tpu.memory_space<vmem>>) offsets(%dma_start3A_129 : memref<224xi32, #tpu.memory_space<vmem>>) semaphore(%arg10 : memref<!tpu.dma_semaphore, #tpu.memory_space<semaphore_mem>>)
    %dma_wait3A_133 = arith.constant 1344 : i32
    %dma_wait3A_134 = tpu.memref_slice %arg5[%dma_wait3A_133] : memref<3136xi32, #tpu.memory_space<vmem>> -> memref<224xi32, #tpu.memory_space<vmem>>
    %dma_wait3A_135 = arith.constant 0 : i32
    %dma_wait3A_136 = arith.constant 0 : i32
    %dma_wait3A_137 = tpu.memref_slice %arg2[%dma_wait3A_135, %dma_wait3A_136] : memref<50000x128xf32, #tpu.memory_space<hbm>> -> memref<50000x128xf32, #tpu.memory_space<hbm>>
    tpu.wait_indirect_dma semaphore(%arg12 : memref<!tpu.dma_semaphore, #tpu.memory_space<semaphore_mem>>) src(%dma_wait3A_137 : memref<50000x128xf32, #tpu.memory_space<hbm>>) dst(%arg8 : memref<224x128xf32, #tpu.memory_space<vmem>>)
    %add3A_138 = arith.constant 1344 : i32
    %add3A_139 = arith.addi %min3A_3, %add3A_138 : i32
    %dma_start3A_140 = arith.constant 0 : i32
    %dma_start3A_141 = tpu.memref_slice %arg4[%add3A_139, %dma_start3A_140] : memref<100000x128xf32, #tpu.memory_space<hbm>> -> memref<224x128xf32, #tpu.memory_space<hbm>>
    %dma_start3A_142 = arith.constant 0 : i32
    %dma_start3A_143 = tpu.memref_slice %arg4[%add3A_139, %dma_start3A_142] : memref<100000x128xf32, #tpu.memory_space<hbm>> -> memref<224x128xf32, #tpu.memory_space<hbm>>
    tpu.enqueue_dma source(%arg8 : memref<224x128xf32, #tpu.memory_space<vmem>>) target(%dma_start3A_143 : memref<224x128xf32, #tpu.memory_space<hbm>>) target_semaphore(%arg16 : memref<!tpu.dma_semaphore, #tpu.memory_space<semaphore_mem>>)
    %dma_wait3A_144 = arith.constant 0 : i32
    %dma_wait3A_145 = tpu.memref_slice %arg4[%add3A_119, %dma_wait3A_144] : memref<100000x128xf32, #tpu.memory_space<hbm>> -> memref<224x128xf32, #tpu.memory_space<hbm>>
    %dma_wait3A_146 = arith.constant 0 : i32
    %dma_wait3A_147 = tpu.memref_slice %arg4[%add3A_119, %dma_wait3A_146] : memref<100000x128xf32, #tpu.memory_space<hbm>> -> memref<224x128xf32, #tpu.memory_space<hbm>>
    tpu.wait_dma2 semaphore(%arg15 : memref<!tpu.dma_semaphore, #tpu.memory_space<semaphore_mem>>) src(%arg7 : memref<224x128xf32, #tpu.memory_space<vmem>>) dst(%dma_wait3A_147 : memref<224x128xf32, #tpu.memory_space<hbm>>)
    %dma_start3A_148 = arith.constant 2016 : i32
    %dma_start3A_149 = tpu.memref_slice %arg5[%dma_start3A_148] : memref<3136xi32, #tpu.memory_space<vmem>> -> memref<224xi32, #tpu.memory_space<vmem>>
    %dma_start3A_150 = arith.constant 0 : i32
    %dma_start3A_151 = arith.constant 0 : i32
    %dma_start3A_152 = tpu.memref_slice %arg2[%dma_start3A_150, %dma_start3A_151] : memref<50000x128xf32, #tpu.memory_space<hbm>> -> memref<50000x128xf32, #tpu.memory_space<hbm>>
    tpu.enqueue_indirect_dma source(%dma_start3A_152 : memref<50000x128xf32, #tpu.memory_space<hbm>>) target(%arg7 : memref<224x128xf32, #tpu.memory_space<vmem>>) offsets(%dma_start3A_149 : memref<224xi32, #tpu.memory_space<vmem>>) semaphore(%arg11 : memref<!tpu.dma_semaphore, #tpu.memory_space<semaphore_mem>>)
    %dma_wait3A_153 = arith.constant 1568 : i32
    %dma_wait3A_154 = tpu.memref_slice %arg5[%dma_wait3A_153] : memref<3136xi32, #tpu.memory_space<vmem>> -> memref<224xi32, #tpu.memory_space<vmem>>
    %dma_wait3A_155 = arith.constant 0 : i32
    %dma_wait3A_156 = arith.constant 0 : i32
    %dma_wait3A_157 = tpu.memref_slice %arg2[%dma_wait3A_155, %dma_wait3A_156] : memref<50000x128xf32, #tpu.memory_space<hbm>> -> memref<50000x128xf32, #tpu.memory_space<hbm>>
    tpu.wait_indirect_dma semaphore(%arg13 : memref<!tpu.dma_semaphore, #tpu.memory_space<semaphore_mem>>) src(%dma_wait3A_157 : memref<50000x128xf32, #tpu.memory_space<hbm>>) dst(%arg9 : memref<224x128xf32, #tpu.memory_space<vmem>>)
    %add3A_158 = arith.constant 1568 : i32
    %add3A_159 = arith.addi %min3A_3, %add3A_158 : i32
    %dma_start3A_160 = arith.constant 0 : i32
    %dma_start3A_161 = tpu.memref_slice %arg4[%add3A_159, %dma_start3A_160] : memref<100000x128xf32, #tpu.memory_space<hbm>> -> memref<224x128xf32, #tpu.memory_space<hbm>>
    %dma_start3A_162 = arith.constant 0 : i32
    %dma_start3A_163 = tpu.memref_slice %arg4[%add3A_159, %dma_start3A_162] : memref<100000x128xf32, #tpu.memory_space<hbm>> -> memref<224x128xf32, #tpu.memory_space<hbm>>
    tpu.enqueue_dma source(%arg9 : memref<224x128xf32, #tpu.memory_space<vmem>>) target(%dma_start3A_163 : memref<224x128xf32, #tpu.memory_space<hbm>>) target_semaphore(%arg17 : memref<!tpu.dma_semaphore, #tpu.memory_space<semaphore_mem>>)
    %dma_wait3A_164 = arith.constant 0 : i32
    %dma_wait3A_165 = tpu.memref_slice %arg4[%add3A_139, %dma_wait3A_164] : memref<100000x128xf32, #tpu.memory_space<hbm>> -> memref<224x128xf32, #tpu.memory_space<hbm>>
    %dma_wait3A_166 = arith.constant 0 : i32
    %dma_wait3A_167 = tpu.memref_slice %arg4[%add3A_139, %dma_wait3A_166] : memref<100000x128xf32, #tpu.memory_space<hbm>> -> memref<224x128xf32, #tpu.memory_space<hbm>>
    tpu.wait_dma2 semaphore(%arg16 : memref<!tpu.dma_semaphore, #tpu.memory_space<semaphore_mem>>) src(%arg8 : memref<224x128xf32, #tpu.memory_space<vmem>>) dst(%dma_wait3A_167 : memref<224x128xf32, #tpu.memory_space<hbm>>)
    %dma_start3A_168 = arith.constant 2240 : i32
    %dma_start3A_169 = tpu.memref_slice %arg5[%dma_start3A_168] : memref<3136xi32, #tpu.memory_space<vmem>> -> memref<224xi32, #tpu.memory_space<vmem>>
    %dma_start3A_170 = arith.constant 0 : i32
    %dma_start3A_171 = arith.constant 0 : i32
    %dma_start3A_172 = tpu.memref_slice %arg2[%dma_start3A_170, %dma_start3A_171] : memref<50000x128xf32, #tpu.memory_space<hbm>> -> memref<50000x128xf32, #tpu.memory_space<hbm>>
    tpu.enqueue_indirect_dma source(%dma_start3A_172 : memref<50000x128xf32, #tpu.memory_space<hbm>>) target(%arg8 : memref<224x128xf32, #tpu.memory_space<vmem>>) offsets(%dma_start3A_169 : memref<224xi32, #tpu.memory_space<vmem>>) semaphore(%arg12 : memref<!tpu.dma_semaphore, #tpu.memory_space<semaphore_mem>>)
    %dma_wait3A_173 = arith.constant 1792 : i32
    %dma_wait3A_174 = tpu.memref_slice %arg5[%dma_wait3A_173] : memref<3136xi32, #tpu.memory_space<vmem>> -> memref<224xi32, #tpu.memory_space<vmem>>
    %dma_wait3A_175 = arith.constant 0 : i32
    %dma_wait3A_176 = arith.constant 0 : i32
    %dma_wait3A_177 = tpu.memref_slice %arg2[%dma_wait3A_175, %dma_wait3A_176] : memref<50000x128xf32, #tpu.memory_space<hbm>> -> memref<50000x128xf32, #tpu.memory_space<hbm>>
    tpu.wait_indirect_dma semaphore(%arg10 : memref<!tpu.dma_semaphore, #tpu.memory_space<semaphore_mem>>) src(%dma_wait3A_177 : memref<50000x128xf32, #tpu.memory_space<hbm>>) dst(%arg6 : memref<224x128xf32, #tpu.memory_space<vmem>>)
    %add3A_178 = arith.constant 1792 : i32
    %add3A_179 = arith.addi %min3A_3, %add3A_178 : i32
    %dma_start3A_180 = arith.constant 0 : i32
    %dma_start3A_181 = tpu.memref_slice %arg4[%add3A_179, %dma_start3A_180] : memref<100000x128xf32, #tpu.memory_space<hbm>> -> memref<224x128xf32, #tpu.memory_space<hbm>>
    %dma_start3A_182 = arith.constant 0 : i32
    %dma_start3A_183 = tpu.memref_slice %arg4[%add3A_179, %dma_start3A_182] : memref<100000x128xf32, #tpu.memory_space<hbm>> -> memref<224x128xf32, #tpu.memory_space<hbm>>
    tpu.enqueue_dma source(%arg6 : memref<224x128xf32, #tpu.memory_space<vmem>>) target(%dma_start3A_183 : memref<224x128xf32, #tpu.memory_space<hbm>>) target_semaphore(%arg14 : memref<!tpu.dma_semaphore, #tpu.memory_space<semaphore_mem>>)
    %dma_wait3A_184 = arith.constant 0 : i32
    %dma_wait3A_185 = tpu.memref_slice %arg4[%add3A_159, %dma_wait3A_184] : memref<100000x128xf32, #tpu.memory_space<hbm>> -> memref<224x128xf32, #tpu.memory_space<hbm>>
    %dma_wait3A_186 = arith.constant 0 : i32
    %dma_wait3A_187 = tpu.memref_slice %arg4[%add3A_159, %dma_wait3A_186] : memref<100000x128xf32, #tpu.memory_space<hbm>> -> memref<224x128xf32, #tpu.memory_space<hbm>>
    tpu.wait_dma2 semaphore(%arg17 : memref<!tpu.dma_semaphore, #tpu.memory_space<semaphore_mem>>) src(%arg9 : memref<224x128xf32, #tpu.memory_space<vmem>>) dst(%dma_wait3A_187 : memref<224x128xf32, #tpu.memory_space<hbm>>)
    %dma_start3A_188 = arith.constant 2464 : i32
    %dma_start3A_189 = tpu.memref_slice %arg5[%dma_start3A_188] : memref<3136xi32, #tpu.memory_space<vmem>> -> memref<224xi32, #tpu.memory_space<vmem>>
    %dma_start3A_190 = arith.constant 0 : i32
    %dma_start3A_191 = arith.constant 0 : i32
    %dma_start3A_192 = tpu.memref_slice %arg2[%dma_start3A_190, %dma_start3A_191] : memref<50000x128xf32, #tpu.memory_space<hbm>> -> memref<50000x128xf32, #tpu.memory_space<hbm>>
    tpu.enqueue_indirect_dma source(%dma_start3A_192 : memref<50000x128xf32, #tpu.memory_space<hbm>>) target(%arg9 : memref<224x128xf32, #tpu.memory_space<vmem>>) offsets(%dma_start3A_189 : memref<224xi32, #tpu.memory_space<vmem>>) semaphore(%arg13 : memref<!tpu.dma_semaphore, #tpu.memory_space<semaphore_mem>>)
    %dma_wait3A_193 = arith.constant 2016 : i32
    %dma_wait3A_194 = tpu.memref_slice %arg5[%dma_wait3A_193] : memref<3136xi32, #tpu.memory_space<vmem>> -> memref<224xi32, #tpu.memory_space<vmem>>
    %dma_wait3A_195 = arith.constant 0 : i32
    %dma_wait3A_196 = arith.constant 0 : i32
    %dma_wait3A_197 = tpu.memref_slice %arg2[%dma_wait3A_195, %dma_wait3A_196] : memref<50000x128xf32, #tpu.memory_space<hbm>> -> memref<50000x128xf32, #tpu.memory_space<hbm>>
    tpu.wait_indirect_dma semaphore(%arg11 : memref<!tpu.dma_semaphore, #tpu.memory_space<semaphore_mem>>) src(%dma_wait3A_197 : memref<50000x128xf32, #tpu.memory_space<hbm>>) dst(%arg7 : memref<224x128xf32, #tpu.memory_space<vmem>>)
    %add3A_198 = arith.constant 2016 : i32
    %add3A_199 = arith.addi %min3A_3, %add3A_198 : i32
    %dma_start3A_200 = arith.constant 0 : i32
    %dma_start3A_201 = tpu.memref_slice %arg4[%add3A_199, %dma_start3A_200] : memref<100000x128xf32, #tpu.memory_space<hbm>> -> memref<224x128xf32, #tpu.memory_space<hbm>>
    %dma_start3A_202 = arith.constant 0 : i32
    %dma_start3A_203 = tpu.memref_slice %arg4[%add3A_199, %dma_start3A_202] : memref<100000x128xf32, #tpu.memory_space<hbm>> -> memref<224x128xf32, #tpu.memory_space<hbm>>
    tpu.enqueue_dma source(%arg7 : memref<224x128xf32, #tpu.memory_space<vmem>>) target(%dma_start3A_203 : memref<224x128xf32, #tpu.memory_space<hbm>>) target_semaphore(%arg15 : memref<!tpu.dma_semaphore, #tpu.memory_space<semaphore_mem>>)
    %dma_wait3A_204 = arith.constant 0 : i32
    %dma_wait3A_205 = tpu.memref_slice %arg4[%add3A_179, %dma_wait3A_204] : memref<100000x128xf32, #tpu.memory_space<hbm>> -> memref<224x128xf32, #tpu.memory_space<hbm>>
    %dma_wait3A_206 = arith.constant 0 : i32
    %dma_wait3A_207 = tpu.memref_slice %arg4[%add3A_179, %dma_wait3A_206] : memref<100000x128xf32, #tpu.memory_space<hbm>> -> memref<224x128xf32, #tpu.memory_space<hbm>>
    tpu.wait_dma2 semaphore(%arg14 : memref<!tpu.dma_semaphore, #tpu.memory_space<semaphore_mem>>) src(%arg6 : memref<224x128xf32, #tpu.memory_space<vmem>>) dst(%dma_wait3A_207 : memref<224x128xf32, #tpu.memory_space<hbm>>)
    %dma_start3A_208 = arith.constant 2688 : i32
    %dma_start3A_209 = tpu.memref_slice %arg5[%dma_start3A_208] : memref<3136xi32, #tpu.memory_space<vmem>> -> memref<224xi32, #tpu.memory_space<vmem>>
    %dma_start3A_210 = arith.constant 0 : i32
    %dma_start3A_211 = arith.constant 0 : i32
    %dma_start3A_212 = tpu.memref_slice %arg2[%dma_start3A_210, %dma_start3A_211] : memref<50000x128xf32, #tpu.memory_space<hbm>> -> memref<50000x128xf32, #tpu.memory_space<hbm>>
    tpu.enqueue_indirect_dma source(%dma_start3A_212 : memref<50000x128xf32, #tpu.memory_space<hbm>>) target(%arg6 : memref<224x128xf32, #tpu.memory_space<vmem>>) offsets(%dma_start3A_209 : memref<224xi32, #tpu.memory_space<vmem>>) semaphore(%arg10 : memref<!tpu.dma_semaphore, #tpu.memory_space<semaphore_mem>>)
    %dma_wait3A_213 = arith.constant 2240 : i32
    %dma_wait3A_214 = tpu.memref_slice %arg5[%dma_wait3A_213] : memref<3136xi32, #tpu.memory_space<vmem>> -> memref<224xi32, #tpu.memory_space<vmem>>
    %dma_wait3A_215 = arith.constant 0 : i32
    %dma_wait3A_216 = arith.constant 0 : i32
    %dma_wait3A_217 = tpu.memref_slice %arg2[%dma_wait3A_215, %dma_wait3A_216] : memref<50000x128xf32, #tpu.memory_space<hbm>> -> memref<50000x128xf32, #tpu.memory_space<hbm>>
    tpu.wait_indirect_dma semaphore(%arg12 : memref<!tpu.dma_semaphore, #tpu.memory_space<semaphore_mem>>) src(%dma_wait3A_217 : memref<50000x128xf32, #tpu.memory_space<hbm>>) dst(%arg8 : memref<224x128xf32, #tpu.memory_space<vmem>>)
    %add3A_218 = arith.constant 2240 : i32
    %add3A_219 = arith.addi %min3A_3, %add3A_218 : i32
    %dma_start3A_220 = arith.constant 0 : i32
    %dma_start3A_221 = tpu.memref_slice %arg4[%add3A_219, %dma_start3A_220] : memref<100000x128xf32, #tpu.memory_space<hbm>> -> memref<224x128xf32, #tpu.memory_space<hbm>>
    %dma_start3A_222 = arith.constant 0 : i32
    %dma_start3A_223 = tpu.memref_slice %arg4[%add3A_219, %dma_start3A_222] : memref<100000x128xf32, #tpu.memory_space<hbm>> -> memref<224x128xf32, #tpu.memory_space<hbm>>
    tpu.enqueue_dma source(%arg8 : memref<224x128xf32, #tpu.memory_space<vmem>>) target(%dma_start3A_223 : memref<224x128xf32, #tpu.memory_space<hbm>>) target_semaphore(%arg16 : memref<!tpu.dma_semaphore, #tpu.memory_space<semaphore_mem>>)
    %dma_wait3A_224 = arith.constant 0 : i32
    %dma_wait3A_225 = tpu.memref_slice %arg4[%add3A_199, %dma_wait3A_224] : memref<100000x128xf32, #tpu.memory_space<hbm>> -> memref<224x128xf32, #tpu.memory_space<hbm>>
    %dma_wait3A_226 = arith.constant 0 : i32
    %dma_wait3A_227 = tpu.memref_slice %arg4[%add3A_199, %dma_wait3A_226] : memref<100000x128xf32, #tpu.memory_space<hbm>> -> memref<224x128xf32, #tpu.memory_space<hbm>>
    tpu.wait_dma2 semaphore(%arg15 : memref<!tpu.dma_semaphore, #tpu.memory_space<semaphore_mem>>) src(%arg7 : memref<224x128xf32, #tpu.memory_space<vmem>>) dst(%dma_wait3A_227 : memref<224x128xf32, #tpu.memory_space<hbm>>)
    %dma_start3A_228 = arith.constant 2912 : i32
    %dma_start3A_229 = tpu.memref_slice %arg5[%dma_start3A_228] : memref<3136xi32, #tpu.memory_space<vmem>> -> memref<224xi32, #tpu.memory_space<vmem>>
    %dma_start3A_230 = arith.constant 0 : i32
    %dma_start3A_231 = arith.constant 0 : i32
    %dma_start3A_232 = tpu.memref_slice %arg2[%dma_start3A_230, %dma_start3A_231] : memref<50000x128xf32, #tpu.memory_space<hbm>> -> memref<50000x128xf32, #tpu.memory_space<hbm>>
    tpu.enqueue_indirect_dma source(%dma_start3A_232 : memref<50000x128xf32, #tpu.memory_space<hbm>>) target(%arg7 : memref<224x128xf32, #tpu.memory_space<vmem>>) offsets(%dma_start3A_229 : memref<224xi32, #tpu.memory_space<vmem>>) semaphore(%arg11 : memref<!tpu.dma_semaphore, #tpu.memory_space<semaphore_mem>>)
    %dma_wait3A_233 = arith.constant 2464 : i32
    %dma_wait3A_234 = tpu.memref_slice %arg5[%dma_wait3A_233] : memref<3136xi32, #tpu.memory_space<vmem>> -> memref<224xi32, #tpu.memory_space<vmem>>
    %dma_wait3A_235 = arith.constant 0 : i32
    %dma_wait3A_236 = arith.constant 0 : i32
    %dma_wait3A_237 = tpu.memref_slice %arg2[%dma_wait3A_235, %dma_wait3A_236] : memref<50000x128xf32, #tpu.memory_space<hbm>> -> memref<50000x128xf32, #tpu.memory_space<hbm>>
    tpu.wait_indirect_dma semaphore(%arg13 : memref<!tpu.dma_semaphore, #tpu.memory_space<semaphore_mem>>) src(%dma_wait3A_237 : memref<50000x128xf32, #tpu.memory_space<hbm>>) dst(%arg9 : memref<224x128xf32, #tpu.memory_space<vmem>>)
    %add3A_238 = arith.constant 2464 : i32
    %add3A_239 = arith.addi %min3A_3, %add3A_238 : i32
    %dma_start3A_240 = arith.constant 0 : i32
    %dma_start3A_241 = tpu.memref_slice %arg4[%add3A_239, %dma_start3A_240] : memref<100000x128xf32, #tpu.memory_space<hbm>> -> memref<224x128xf32, #tpu.memory_space<hbm>>
    %dma_start3A_242 = arith.constant 0 : i32
    %dma_start3A_243 = tpu.memref_slice %arg4[%add3A_239, %dma_start3A_242] : memref<100000x128xf32, #tpu.memory_space<hbm>> -> memref<224x128xf32, #tpu.memory_space<hbm>>
    tpu.enqueue_dma source(%arg9 : memref<224x128xf32, #tpu.memory_space<vmem>>) target(%dma_start3A_243 : memref<224x128xf32, #tpu.memory_space<hbm>>) target_semaphore(%arg17 : memref<!tpu.dma_semaphore, #tpu.memory_space<semaphore_mem>>)
    %dma_wait3A_244 = arith.constant 2688 : i32
    %dma_wait3A_245 = tpu.memref_slice %arg5[%dma_wait3A_244] : memref<3136xi32, #tpu.memory_space<vmem>> -> memref<224xi32, #tpu.memory_space<vmem>>
    %dma_wait3A_246 = arith.constant 0 : i32
    %dma_wait3A_247 = arith.constant 0 : i32
    %dma_wait3A_248 = tpu.memref_slice %arg2[%dma_wait3A_246, %dma_wait3A_247] : memref<50000x128xf32, #tpu.memory_space<hbm>> -> memref<50000x128xf32, #tpu.memory_space<hbm>>
    tpu.wait_indirect_dma semaphore(%arg10 : memref<!tpu.dma_semaphore, #tpu.memory_space<semaphore_mem>>) src(%dma_wait3A_248 : memref<50000x128xf32, #tpu.memory_space<hbm>>) dst(%arg6 : memref<224x128xf32, #tpu.memory_space<vmem>>)
    %add3A_249 = arith.constant 2688 : i32
    %add3A_250 = arith.addi %min3A_3, %add3A_249 : i32
    %dma_start3A_251 = arith.constant 0 : i32
    %dma_start3A_252 = tpu.memref_slice %arg4[%add3A_250, %dma_start3A_251] : memref<100000x128xf32, #tpu.memory_space<hbm>> -> memref<224x128xf32, #tpu.memory_space<hbm>>
    %dma_start3A_253 = arith.constant 0 : i32
    %dma_start3A_254 = tpu.memref_slice %arg4[%add3A_250, %dma_start3A_253] : memref<100000x128xf32, #tpu.memory_space<hbm>> -> memref<224x128xf32, #tpu.memory_space<hbm>>
    tpu.enqueue_dma source(%arg6 : memref<224x128xf32, #tpu.memory_space<vmem>>) target(%dma_start3A_254 : memref<224x128xf32, #tpu.memory_space<hbm>>) target_semaphore(%arg14 : memref<!tpu.dma_semaphore, #tpu.memory_space<semaphore_mem>>)
    %dma_wait3A_255 = arith.constant 2912 : i32
    %dma_wait3A_256 = tpu.memref_slice %arg5[%dma_wait3A_255] : memref<3136xi32, #tpu.memory_space<vmem>> -> memref<224xi32, #tpu.memory_space<vmem>>
    %dma_wait3A_257 = arith.constant 0 : i32
    %dma_wait3A_258 = arith.constant 0 : i32
    %dma_wait3A_259 = tpu.memref_slice %arg2[%dma_wait3A_257, %dma_wait3A_258] : memref<50000x128xf32, #tpu.memory_space<hbm>> -> memref<50000x128xf32, #tpu.memory_space<hbm>>
    tpu.wait_indirect_dma semaphore(%arg11 : memref<!tpu.dma_semaphore, #tpu.memory_space<semaphore_mem>>) src(%dma_wait3A_259 : memref<50000x128xf32, #tpu.memory_space<hbm>>) dst(%arg7 : memref<224x128xf32, #tpu.memory_space<vmem>>)
    %add3A_260 = arith.constant 2912 : i32
    %add3A_261 = arith.addi %min3A_3, %add3A_260 : i32
    %dma_start3A_262 = arith.constant 0 : i32
    %dma_start3A_263 = tpu.memref_slice %arg4[%add3A_261, %dma_start3A_262] : memref<100000x128xf32, #tpu.memory_space<hbm>> -> memref<224x128xf32, #tpu.memory_space<hbm>>
    %dma_start3A_264 = arith.constant 0 : i32
    %dma_start3A_265 = tpu.memref_slice %arg4[%add3A_261, %dma_start3A_264] : memref<100000x128xf32, #tpu.memory_space<hbm>> -> memref<224x128xf32, #tpu.memory_space<hbm>>
    tpu.enqueue_dma source(%arg7 : memref<224x128xf32, #tpu.memory_space<vmem>>) target(%dma_start3A_265 : memref<224x128xf32, #tpu.memory_space<hbm>>) target_semaphore(%arg15 : memref<!tpu.dma_semaphore, #tpu.memory_space<semaphore_mem>>)
    %dma_wait3A_266 = arith.constant 0 : i32
    %dma_wait3A_267 = tpu.memref_slice %arg4[%add3A_219, %dma_wait3A_266] : memref<100000x128xf32, #tpu.memory_space<hbm>> -> memref<224x128xf32, #tpu.memory_space<hbm>>
    %dma_wait3A_268 = arith.constant 0 : i32
    %dma_wait3A_269 = tpu.memref_slice %arg4[%add3A_219, %dma_wait3A_268] : memref<100000x128xf32, #tpu.memory_space<hbm>> -> memref<224x128xf32, #tpu.memory_space<hbm>>
    tpu.wait_dma2 semaphore(%arg16 : memref<!tpu.dma_semaphore, #tpu.memory_space<semaphore_mem>>) src(%arg8 : memref<224x128xf32, #tpu.memory_space<vmem>>) dst(%dma_wait3A_269 : memref<224x128xf32, #tpu.memory_space<hbm>>)
    %dma_wait3A_270 = arith.constant 0 : i32
    %dma_wait3A_271 = tpu.memref_slice %arg4[%add3A_239, %dma_wait3A_270] : memref<100000x128xf32, #tpu.memory_space<hbm>> -> memref<224x128xf32, #tpu.memory_space<hbm>>
    %dma_wait3A_272 = arith.constant 0 : i32
    %dma_wait3A_273 = tpu.memref_slice %arg4[%add3A_239, %dma_wait3A_272] : memref<100000x128xf32, #tpu.memory_space<hbm>> -> memref<224x128xf32, #tpu.memory_space<hbm>>
    tpu.wait_dma2 semaphore(%arg17 : memref<!tpu.dma_semaphore, #tpu.memory_space<semaphore_mem>>) src(%arg9 : memref<224x128xf32, #tpu.memory_space<vmem>>) dst(%dma_wait3A_273 : memref<224x128xf32, #tpu.memory_space<hbm>>)
    %dma_wait3A_274 = arith.constant 0 : i32
    %dma_wait3A_275 = tpu.memref_slice %arg4[%add3A_250, %dma_wait3A_274] : memref<100000x128xf32, #tpu.memory_space<hbm>> -> memref<224x128xf32, #tpu.memory_space<hbm>>
    %dma_wait3A_276 = arith.constant 0 : i32
    %dma_wait3A_277 = tpu.memref_slice %arg4[%add3A_250, %dma_wait3A_276] : memref<100000x128xf32, #tpu.memory_space<hbm>> -> memref<224x128xf32, #tpu.memory_space<hbm>>
    tpu.wait_dma2 semaphore(%arg14 : memref<!tpu.dma_semaphore, #tpu.memory_space<semaphore_mem>>) src(%arg6 : memref<224x128xf32, #tpu.memory_space<vmem>>) dst(%dma_wait3A_277 : memref<224x128xf32, #tpu.memory_space<hbm>>)
    %dma_wait3A_278 = arith.constant 0 : i32
    %dma_wait3A_279 = tpu.memref_slice %arg4[%add3A_261, %dma_wait3A_278] : memref<100000x128xf32, #tpu.memory_space<hbm>> -> memref<224x128xf32, #tpu.memory_space<hbm>>
    %dma_wait3A_280 = arith.constant 0 : i32
    %dma_wait3A_281 = tpu.memref_slice %arg4[%add3A_261, %dma_wait3A_280] : memref<100000x128xf32, #tpu.memory_space<hbm>> -> memref<224x128xf32, #tpu.memory_space<hbm>>
    tpu.wait_dma2 semaphore(%arg15 : memref<!tpu.dma_semaphore, #tpu.memory_space<semaphore_mem>>) src(%arg7 : memref<224x128xf32, #tpu.memory_space<vmem>>) dst(%dma_wait3A_281 : memref<224x128xf32, #tpu.memory_space<hbm>>)
    return
  }
}

</mosaic_0001>

<sc_bundles>
// kernel: kernel.3.cloned.1.call-start
scs
__scs_entry_jumppad:
0x0: {  	(pc) =	sbr.rel $0x88, $3  }
0x1: {  	(tag) =	ssettag $0x0;
	lr =	simm.s32 $0x1  }
0x2: {  	[smem:$0x3F9F] =	sst lr;
	_ =	strace $0xD0000000  }
0x3: {  	_ = 	snop  }
0x4: {  	_ = 	snop  }
0x5: {  	_ = 	snop  }
0x6: {  	_ = 	snop  }
0x7: {  	_ = 	snop  }
__scs_overlays_trampoline_lowered:
0x8: {  	[smem:$0x3FAE] =	sst s0  }
0x9: {  	[smem:$0x3FAF] =	sst s1  }
0xa: {  	[smem:$0x3FB0] =	sst s2  }
0xb: {  	[smem:$0x3FB1] =	sst s3  }
0xc: {  	[smem:$0x3FB2] =	sst s4  }
0xd: {  	[smem:$0x3FB3] =	sst s5  }
0xe: {  	[smem:$0x3FB4] =	sst s6  }
0xf: {  	[smem:$0x3FB5] =	sst s7  }
0x10: {  	[smem:$0x3FB6] =	sst s8  }
0x11: {  	[smem:$0x3FB7] =	sst s9;
	s0 =	simm.s32 @!p0 $0x0  }
0x12: {  	s1 =	sld [smem:$0x3F9D];
	s0 =	simm.s32 @p0 $0x1  }
0x13: {  	[smem:$0x3FB8] =	sst s0;
	s0 =	simm.s32 @!p1 $0x0  }
0x14: {  	s2 =	sld [smem:$0x3F9C];
	s0 =	simm.s32 @p1 $0x1  }
0x15: {  	[smem:$0x3FB9] =	sst s0;
	s0 =	simm.s32 @!p2 $0x0  }
0x16: {  	s3 =	sld [smem:$0x3FDB];
	s0 =	simm.s32 @p2 $0x1  }
0x17: {  	s4 =	simm.s32 $0x1BF5;
	[smem:$0x3FBB] =	sst s0  }
0x18: {  	s0 =	sld [smem:$0x3F9E];
	_ =	swait.ge [sflag:s4], $0x0  }
0x19: {  	s7 =	sld [smem:$0x3F9F]  }
0x1a: {  	s8 =	sadd.s32 $0xFFFFE003, lr  }
0x1b: {  	s9 =	sadd.s32 $0xFFFFFEF7, lr;
	s5 =	simm.s32 $0xFFFFFFFF;
	p2 =	slt.u32 s8, $0xFFFFF086  }
0x1c: {  	p1 =	slt.u32 s9, $0xF7A;
	s5 =	simm.s32 @!p2 $0x0  }
0x1d: {  	s5 =	simm.s32 @p1 $0x1;
	p0 =	seq.s32 s7, s2  }
0x1e: {  	s7 =	smul.u32 @!p0 $0xF7A, s2;
	p2 =	seq.s32 @!p0 s5, $0x0  }
0x1f: {  	s9 =	smul.u32 $0xF7A, s1;
	s8 =	simm.s32 @!p0 $0x1BF5;
	p2 =	por !p2, p0  }
0x20: {  	[sflag:s8] =	ssyncset.s32 @!p0 $0xFFFFF086;
	s6 =	sadd.s32 @!p0 s3, s7;
	s7 =	simm.s32 @!p0 $0x108  }
0x21: {  	s3 =	sadd.s32 s3, s9;
	s6 =	sadd.s32 @!p0 $0x88, s6;
	s7 =	simm.s32 @p2 $0x1082  }
0x22: {  	[simem:s7], [sflag:s8] =	dma.local @!p0 [hbm:s6], $0xF7A  }
0x23: {  	s9 =	sor.u32 $0xD0000000, s2;
	s6 =	simm.s32 $0x108;
	_ =	swait.ge @!p0 [sflag:s8], $0x0  }
0x24: {  	s3 =	sadd.s32 $0x88, s3;
	s6 =	simm.s32 @!p1 $0x1082;
	[sflag:s4] =	ssyncset.s32 $0xFFFFF086  }
0x25: {  	[simem:s6], [sflag:s4] =	dma.local [hbm:s3], $0xF7A  }
0x26: {  	[smem:$0x3F9F] =	sst s1;
	(tag) =	ssettag s2;
	_ =	strace s9  }
0x27: {  	s1 =	sld [smem:$0x3FAF]  }
0x28: {  	s2 =	sld [smem:$0x3FB0]  }
0x29: {  	s4 =	sld [smem:$0x3FB2]  }
0x2a: {  	p0 =	seq.s32 s5, $0x0;
	s5 =	sld [smem:$0x3FB3]  }
0x2b: {  	s6 =	sld [smem:$0x3FB4]  }
0x2c: {  	s7 =	sld [smem:$0x3FB5]  }
0x2d: {  	s3 =	simm.s32 $0x108;
	s8 =	sld [smem:$0x3FB6]  }
0x2e: {  	s3 =	simm.s32 @!p0 $0x1082;
	s9 =	sld [smem:$0x3FB7]  }
0x2f: {  	lr =	sadd.s32 s0, s3;
	s0 =	sld [smem:$0x3FAE]  }
0x30: {  	s3 =	sld [smem:$0x3FB1]  }
0x31: {  	[smem:$0x3FBA] =	sst s10  }
0x32: {  	s10 =	sld [smem:$0x3FB8];
	_ =	sdelay $0x3  }
0x33: {  	p0 =	seq.s32 s10, $0x1;
	s10 =	sld [smem:$0x3FBA];
	_ =	sdelay $0x3  }
0x34: {  	[smem:$0x3FBA] =	sst s10  }
0x35: {  	s10 =	sld [smem:$0x3FB9];
	_ =	sdelay $0x3  }
0x36: {  	p1 =	seq.s32 s10, $0x1;
	s10 =	sld [smem:$0x3FBA];
	_ =	sdelay $0x3  }
0x37: {  	[smem:$0x3FBA] =	sst s10  }
0x38: {  	s10 =	sld [smem:$0x3FBB]  }
0x39: {  	_ = 	snop;
	(pc) =	sbr.ind lr, $3  }
0x3a: {  	_ = 	snop  }
0x3b: {  	_ = 	snop  }
0x3c: {  	p2 =	seq.s32 s10, $0x1;
	s10 =	sld [smem:$0x3FBA]  }
0x3d: {  	_ =	shalt  }
0x3e: {  	_ =	shalt  }
0x3f: {  	_ =	shalt  }
0x40: {  	_ =	shalt  }
0x41: {  	_ =	shalt  }
0x42: {  	_ =	shalt  }
0x43: {  	_ =	shalt  }
0x44: {  	_ =	shalt  }
0x45: {  	_ =	shalt  }
0x46: {  	_ =	shalt  }
0x47: {  	_ =	shalt  }
0x48: {  	_ =	shalt  }
0x49: {  	_ =	shalt  }
0x4a: {  	_ =	shalt  }
0x4b: {  	_ =	shalt  }
0x4c: {  	_ =	shalt  }
0x4d: {  	_ =	shalt  }
0x4e: {  	_ =	shalt  }
0x4f: {  	_ =	shalt  }
0x50: {  	_ =	shalt  }
0x51: {  	_ =	shalt  }
0x52: {  	_ =	shalt  }
0x53: {  	_ =	shalt  }
0x54: {  	_ =	shalt  }
0x55: {  	_ =	shalt  }
0x56: {  	_ =	shalt  }
0x57: {  	_ =	shalt  }
0x58: {  	_ =	shalt  }
0x59: {  	_ =	shalt  }
0x5a: {  	_ =	shalt  }
0x5b: {  	_ =	shalt  }
0x5c: {  	_ =	shalt  }
0x5d: {  	_ =	shalt  }
0x5e: {  	_ =	shalt  }
0x5f: {  	_ =	shalt  }
0x60: {  	_ =	shalt  }
0x61: {  	_ =	shalt  }
0x62: {  	_ =	shalt  }
0x63: {  	_ =	shalt  }
0x64: {  	_ =	shalt  }
0x65: {  	_ =	shalt  }
0x66: {  	_ =	shalt  }
0x67: {  	_ =	shalt  }
0x68: {  	_ =	shalt  }
0x69: {  	_ =	shalt  }
0x6a: {  	_ =	shalt  }
0x6b: {  	_ =	shalt  }
0x6c: {  	_ =	shalt  }
0x6d: {  	_ =	shalt  }
0x6e: {  	_ =	shalt  }
0x6f: {  	_ =	shalt  }
0x70: {  	_ =	shalt  }
0x71: {  	_ =	shalt  }
0x72: {  	_ =	shalt  }
0x73: {  	_ =	shalt  }
0x74: {  	_ =	shalt  }
0x75: {  	_ =	shalt  }
0x76: {  	_ =	shalt  }
0x77: {  	_ =	shalt  }
0x78: {  	_ =	shalt  }
0x79: {  	_ =	shalt  }
0x7a: {  	_ =	shalt  }
0x7b: {  	_ =	shalt  }
0x7c: {  	_ =	shalt  }
0x7d: {  	_ =	shalt  }
0x7e: {  	_ =	shalt  }
0x7f: {  	_ =	shalt  }
0x80: {  	_ =	shalt  }
0x81: {  	_ =	shalt  }
0x82: {  	_ =	shalt  }
0x83: {  	_ =	shalt  }
0x84: {  	_ =	shalt  }
0x85: {  	_ =	shalt  }
0x86: {  	_ =	shalt  }
0x87: {  	_ =	shalt  }
.Lfunc_end0:
.L_simem_size_0:
called_computation_lowered:
.L_overlay_start_0:
0x88: {  	s2 =	sld [smem:$0x3FD9]  }
0x89: {  	s3 =	sld [smem:$0x3FFE];
	_ =	sdelay $0x1  }
0x8a: {  	s1 =	srdreg.scid  }
0x8b: {  	s0 =	sand.u32 $0x1, s1  }
0x8c: {  	s18 =	sshll.u32 s0, $0xA;
	s2 =	sadd.s32 s3, s2  }
0x8d: {  	s2 =	sadd.s32 s2, s18  }
0x8e: {  	[smem:$0x3FC6] =	sst s2  }
0x8f: {  	_ = 	snop  }
0x90: {  	s2 =	sld [smem:$0x3FC9]  }
0x91: {  	s19 =	sld [smem:$0x3FC8]  }
0x92: {  	s4 =	sld [smem:$0x3FD0];
	(tm) =	ssettm $0x1  }
0x93: {  	s5 =	sld [smem:$0x3FFB];
	_ =	sdelay $0x3  }
0x94: {  	_ =	strace s5  }
0x95: {  	s5 =	sld [smem:$0x3FFC];
	_ =	sdelay $0x3  }
0x96: {  	_ =	strace s5  }
0x97: {  	s5 =	sld [smem:$0x3FFD];
	_ =	sdelay $0x3  }
0x98: {  	_ =	strace s5  }
0x99: {  	_ =	strace $0x8FFFFFFF  }
0x9a: {  	s20 =	sld [smem:$0x3FDB];
	_ =	sdelay $0x1  }
0x9b: {  	s6 =	simm.s32 $_scs_section_size  }
0x9c: {  	s7 =	simm.s32 $_size__tile_overlayer_lowered;
	s8 =	simm.s32 $_tile_overlayer_lowered  }
0x9d: {  	s23 =	simm.s32 $0x1BFF;
	s22 =	sshll.u32 s8, $0x1;
	s5 =	sadd.s32 s6, s20  }
0x9e: {  	s9 =	simm.s32 $0x0;
	s21 =	sshll.u32 s7, $0x1;
	s7 =	sadd.s32 s22, s5  }
0x9f: {  	[timem:s9], [sflag:s23] =	dma.local [hbm:s7], s21  }
0xa0: {  	_ =	swait.ge [sflag:s23], s21  }
0xa1: {  	s6 =	ssub.s32 $0x0, s21;
	[sflag:s23] =	ssyncset.done $0x0  }
0xa2: {  	[sflag:s23] =	ssyncadd.s32 s6;
	_ =	sdelay $0x1  }
0xa3: {  	s24 =	simm.s32 $0x1B8B  }
0xa4: {  	_ =	swait.ge [sflag:s24], $0x1  }
0xa5: {  	[sflag:s24] =	ssyncset.done $0x0  }
0xa6: {  	s25 =	simm.s32 $0x1B8E;
	[sflag:s24] =	ssyncadd.s32 $0xFFFFFFFF  }
0xa7: {  	s26 =	simm.s32 $execute0_lowered;
	[smem:$0x3FD2] =	sst s25  }
0xa8: {  	s6 =	sshll.u32 s26, $0x1;
	_ =	strace $0x80000046;
	[dreg:$0x1] =	wrdreg $0xFFFFFFFF  }
0xa9: {  	s28 =	simm.s32 $_size_execute0_lowered;
	s5 =	sadd.s32 s5, s6;
	[dreg:$0x0] =	wrdreg $0x0  }
0xaa: {  	s6 =	sshll.u32 s28, $0x1;
	[dreg:$0x2] =	wrdreg s5  }
0xab: {  	[dreg:$0x3] =	wrdreg s6  }
0xac: {  	[dreg:$0x4] =	wrdreg $0xC0  }
0xad: {  	_ =	task [dreg:s9], $0x5FFFF  }
0xae: {  	[dreg:$0x1] =	wrdreg $0xFFFFFFFF  }
0xaf: {  	[dreg:$0x0] =	wrdreg $0x60  }
0xb0: {  	[dreg:$0x2] =	wrdreg s2  }
0xb1: {  	[dreg:$0x3] =	wrdreg s19  }
0xb2: {  	[dreg:$0x4] =	wrdreg s4  }
0xb3: {  	[dreg:$0x5] =	wrdreg $0x9  }
0xb4: {  	_ =	task.clear_ibuf [dreg:s9], $0x6FFFF;
	_ =	strace $0x90000046  }
0xb5: {  	s29 =	simm.s32 $0x9;
	_ =	strace $0x80000048  }
0xb6: {  	_ =	swait.ge [sflag:s29], $0x1  }
0xb7: {  	[sflag:s29] =	ssyncadd.s32 $0xFFFFFFFF  }
0xb8: {  	_ =	strace $0x90000048  }
0xb9: {  	_ =	sfence  }
0xba: {  	s30 =	sld [smem:$0x0];
	_ =	sdelay $0x2  }
0xbb: {  	s31 =	sshll.u32 s1, $0xD;
	s1 =	sshrl.u32 s1, $0x2  }
0xbc: {  	s3 =	sand.u32 $0x4000, s31;
	s1 =	sadd.s32 s1, s30  }
0xbd: {  	s0 =	sor.u32 s3, s0;
	s1 =	sshll.u32 s1, $0x11  }
0xbe: {  	s0 =	sor.u32 s1, s0  }
0xbf: {  	s0 =	sadd.s32 $0x8F2B, s0  }
0xc0: {  	[sflag:s0] =	ssyncadd.remote.s32 $0x1  }
0xc1: {  	_ =	sfence.sel $0xFFFF  }
0xc2: {  	[dreg:$0x0] =	wrdreg $0xFFFFFFFF;
	(pc) =	sbr.abs _section_cstart, $3  }
0xc3: {  	[dreg:$0x1] =	wrdreg $0xFFFFFFFF  }
0xc4: {  	_ =	task.clear_ibuf [dreg:s9], $0x2FFFF;
	_ =	strace $0x9FFFFFFF  }
0xc5: {  	(tm) =	ssettm $0x7FFFFFFF  }
tec
execute0_lowered:
.L_overlay_start_1:
0x0: {  	(tag) =	ssettag $0x1  }
0x1: {  	s0 =	srdreg.scid;
	s1 =	stileid.u32  }
0x2: {  	s3 =	rddreg [dreg:$0x0];
	s0 =	sand.u32 $0x1, s0;
	s1 =	sshll.u32 s1, $0x1  }
0x3: {  	s4 =	rddreg [dreg:$0x1];
	s1 =	sor.u32 s0, s1  }
0x4: {  	s5 =	rddreg [dreg:$0x2];
	s2 =	simm.s32 $0x0;
	s1 =	smul.u32 $0xC40, s1  }
0x5: {  	s30 =	simm.s32 $0x9;
	s12 =	simm.s32 $0xE0;
	s7 =	simm.s32 $0xC80  }
0x6: {  	s31 =	simm.s32 $0x1C0;
	s9 =	simm.s32 $0x1;
	s1 =	smin.u32 s1, $0x17A60  }
0x7: {  	s29 =	simm.s32 $0x2A0;
	s6 =	sshrl.u32 s1, $0x3;
	s1 =	sshll.u32 s1, $0x4  }
0x8: {  	[smem:$0x7FF] =	sst s2;
	s4 =	sadd.s32 s4, s6;
	s21 =	sadd.s32 s5, s1  }
0x9: {  	_ =	strace $0x80000047;
	[dreg:$0x4] =	wrdreg s4;
	s1 =	sadd.s32 $0xE00, s21  }
0xa: {  	s8 =	simm.s32 $0x2;
	s13 =	sadd.s32 $0x1C00, s21;
	[dreg:$0x5] =	wrdreg s1  }
0xb: {  	s28 =	simm.s32 $0x380;
	s14 =	sadd.s32 $0x2A00, s21;
	[dreg:$0x6] =	wrdreg s13  }
0xc: {  	s11 =	simm.s32 $0x7;
	s15 =	sadd.s32 $0x3800, s21;
	[dreg:$0x7] =	wrdreg s14  }
0xd: {  	s10 =	simm.s32 $0x8;
	s16 =	sadd.s32 $0x4600, s21;
	[dreg:$0x8] =	wrdreg s15  }
0xe: {  	p0 =	por $0x0, $0x0;
	s17 =	sadd.s32 $0x5400, s21;
	[dreg:$0x9] =	wrdreg s16  }
0xf: {  	s0 =	ssub.s32 $0x2, s0;
	s18 =	sadd.s32 $0x6200, s21;
	[dreg:$0xa] =	wrdreg s17  }
0x10: {  	s24 =	sshrl.u32 s0, $0x1;
	s19 =	sadd.s32 $0x7000, s21;
	[dreg:$0xb] =	wrdreg s18  }
0x11: {  	s0 =	ssub.s32 s0, s24;
	s20 =	sadd.s32 $0x7E00, s21;
	[dreg:$0xc] =	wrdreg s19  }
0x12: {  	s24 =	simm.s32 $0x620;
	s22 =	sadd.s32 $0x8C00, s21;
	[dreg:$0xd] =	wrdreg s20  }
0x13: {  	s0 =	smax.u32 s0, $0x1;
	s23 =	sadd.s32 $0x9A00, s21;
	[dreg:$0xe] =	wrdreg s22  }
0x14: {  	p1 =	sne.s32 s0, $0x1;
	s25 =	sadd.s32 $0xA800, s21;
	[dreg:$0xf] =	wrdreg s23  }
0x15: {  	s6 =	simm.s32 $0x7C80;
	s26 =	sadd.s32 $0xB600, s21;
	[dreg:$0x10] =	wrdreg s25  }
0x16: {  	s5 =	simm.s32 $0x6;
	s4 =	simm.s32 $0x5;
	[dreg:$0x11] =	wrdreg s26  }
.Ltmp0:
0x17: {  	s14 =	simm.s32 $0xEC80;
	s13 =	simm.s32 $0x15C80;
	(pc) =	sbr.rel @!p1 .LBB2_3-.Ltmp0, $4  }
0x18: {  	s16 =	simm.s32 $0x3;
	s26 =	simm.s32 $0x460;
	s15 =	simm.s32 $0x4  }
0x19: {  	s25 =	simm.s32 $0x540;
	s1 =	sadd.s32 $0xFFFFFFFF, s0;
	s23 =	simm.s32 $0x700  }
0x1a: {  	s22 =	simm.s32 $0x7E0;
	s20 =	simm.s32 $0x8C0;
	s19 =	simm.s32 $0x9A0  }
0x1b: {  	s18 =	simm.s32 $0xA80;
	s17 =	simm.s32 $0xB60;
	s0 =	rddreg [dreg:$0x4]  }
0x1c: {  	[tilespmem:s2], [sflag:$0x9] =	stream.linear.gather [hbm4b:s0+s2], $0xC40, $0x38;
	[tilespmem:$0x1CC80] =	vst v63  }
0x1d: {  	_ =	swait.ge [sflag:s30], $0xC40  }
0x1e: {  	[sflag:s30] =	ssyncset.done $0x0  }
0x1f: {  	[sflag:s30] =	ssyncadd.s32 $0xFFFFF3C0  }
0x20: {  	[tilespmem:s7], [sflag:$0x1] =	stream.indirect.gather [hbm4b:s3+s12], $0x80, s2, s12, $0xb8;
	[tilespmem:$0x1CC80] =	vst v63  }
0x21: {  	_ = 	snop  }
0x22: {  	[tilespmem:s6], [sflag:$0x2] =	stream.indirect.gather [hbm4b:s3+s12], $0x80, s12, s12, $0xb8;
	[tilespmem:$0x1CC80] =	vst v63  }
0x23: {  	_ = 	snop  }
0x24: {  	[tilespmem:s14], [sflag:$0x3] =	stream.indirect.gather [hbm4b:s3+s12], $0x80, s31, s12, $0xb8;
	[tilespmem:$0x1CC80] =	vst v63  }
0x25: {  	_ =	swait.ge [sflag:s9], $0x7000  }
0x26: {  	[sflag:s9] =	ssyncset.done $0x0  }
0x27: {  	[sflag:s9] =	ssyncadd.s32 $0xFFFF9000  }
0x28: {  	[hbm4b:s21+s2] =	stream.linear.scatter [tilespmem:s7], [sflag:$0x5], $0x7000, $0x38;
	[tilespmem:$0x1CC80] =	vst v63  }
0x29: {  	_ = 	snop  }
0x2a: {  	[tilespmem:s13], [sflag:$0x4] =	stream.indirect.gather [hbm4b:s3+s12], $0x80, s29, s12, $0xb8;
	[tilespmem:$0x1CC80] =	vst v63  }
0x2b: {  	_ =	swait.ge [sflag:s8], $0x7000  }
0x2c: {  	[sflag:s8] =	ssyncset.done $0x0  }
0x2d: {  	s0 =	rddreg [dreg:$0x5];
	[sflag:s8] =	ssyncadd.s32 $0xFFFF9000  }
0x2e: {  	[hbm4b:s0+s2] =	stream.linear.scatter [tilespmem:s6], [sflag:$0x6], $0x7000, $0x38;
	[tilespmem:$0x1CC80] =	vst v63  }
0x2f: {  	_ =	swait.ge [sflag:s4], $0x7000  }
0x30: {  	[sflag:s4] =	ssyncset.done $0x0  }
0x31: {  	[sflag:s4] =	ssyncadd.s32 $0xFFFF9000  }
0x32: {  	[tilespmem:s7], [sflag:$0x1] =	stream.indirect.gather [hbm4b:s3+s12], $0x80, s28, s12, $0xb8;
	[tilespmem:$0x1CC80] =	vst v63  }
0x33: {  	_ =	swait.ge [sflag:s16], $0x7000  }
0x34: {  	[sflag:s16] =	ssyncset.done $0x0  }
0x35: {  	s0 =	rddreg [dreg:$0x6];
	[sflag:s16] =	ssyncadd.s32 $0xFFFF9000  }
0x36: {  	[hbm4b:s0+s2] =	stream.linear.scatter [tilespmem:s14], [sflag:$0x7], $0x7000, $0x38;
	[tilespmem:$0x1CC80] =	vst v63  }
0x37: {  	_ =	swait.ge [sflag:s5], $0x7000  }
0x38: {  	[sflag:s5] =	ssyncset.done $0x0  }
0x39: {  	[sflag:s5] =	ssyncadd.s32 $0xFFFF9000  }
0x3a: {  	[tilespmem:s6], [sflag:$0x2] =	stream.indirect.gather [hbm4b:s3+s12], $0x80, s26, s12, $0xb8;
	[tilespmem:$0x1CC80] =	vst v63  }
0x3b: {  	_ =	swait.ge [sflag:s15], $0x7000  }
0x3c: {  	[sflag:s15] =	ssyncset.done $0x0  }
0x3d: {  	s0 =	rddreg [dreg:$0x7];
	[sflag:s15] =	ssyncadd.s32 $0xFFFF9000  }
0x3e: {  	[hbm4b:s0+s2] =	stream.linear.scatter [tilespmem:s13], [sflag:$0x8], $0x7000, $0x38;
	[tilespmem:$0x1CC80] =	vst v63  }
0x3f: {  	_ =	swait.ge [sflag:s11], $0x7000  }
0x40: {  	[sflag:s11] =	ssyncset.done $0x0  }
0x41: {  	[sflag:s11] =	ssyncadd.s32 $0xFFFF9000  }
0x42: {  	[tilespmem:s14], [sflag:$0x3] =	stream.indirect.gather [hbm4b:s3+s12], $0x80, s25, s12, $0xb8;
	[tilespmem:$0x1CC80] =	vst v63  }
0x43: {  	_ =	swait.ge [sflag:s9], $0x7000  }
0x44: {  	[sflag:s9] =	ssyncset.done $0x0  }
0x45: {  	s0 =	rddreg [dreg:$0x8];
	[sflag:s9] =	ssyncadd.s32 $0xFFFF9000  }
0x46: {  	[hbm4b:s0+s2] =	stream.linear.scatter [tilespmem:s7], [sflag:$0x5], $0x7000, $0x38;
	[tilespmem:$0x1CC80] =	vst v63  }
0x47: {  	_ =	swait.ge [sflag:s10], $0x7000  }
0x48: {  	[sflag:s10] =	ssyncset.done $0x0  }
0x49: {  	[sflag:s10] =	ssyncadd.s32 $0xFFFF9000  }
0x4a: {  	[tilespmem:s13], [sflag:$0x4] =	stream.indirect.gather [hbm4b:s3+s12], $0x80, s24, s12, $0xb8;
	[tilespmem:$0x1CC80] =	vst v63  }
0x4b: {  	_ =	swait.ge [sflag:s8], $0x7000  }
0x4c: {  	[sflag:s8] =	ssyncset.done $0x0  }
0x4d: {  	s0 =	rddreg [dreg:$0x9];
	[sflag:s8] =	ssyncadd.s32 $0xFFFF9000  }
0x4e: {  	[hbm4b:s0+s2] =	stream.linear.scatter [tilespmem:s6], [sflag:$0x6], $0x7000, $0x38;
	[tilespmem:$0x1CC80] =	vst v63  }
0x4f: {  	_ =	swait.ge [sflag:s4], $0x7000  }
0x50: {  	[sflag:s4] =	ssyncset.done $0x0  }
0x51: {  	[sflag:s4] =	ssyncadd.s32 $0xFFFF9000  }
0x52: {  	[tilespmem:s7], [sflag:$0x1] =	stream.indirect.gather [hbm4b:s3+s12], $0x80, s23, s12, $0xb8;
	[tilespmem:$0x1CC80] =	vst v63  }
0x53: {  	_ =	swait.ge [sflag:s16], $0x7000  }
0x54: {  	[sflag:s16] =	ssyncset.done $0x0  }
0x55: {  	s0 =	rddreg [dreg:$0xa];
	[sflag:s16] =	ssyncadd.s32 $0xFFFF9000  }
0x56: {  	[hbm4b:s0+s2] =	stream.linear.scatter [tilespmem:s14], [sflag:$0x7], $0x7000, $0x38;
	[tilespmem:$0x1CC80] =	vst v63  }
0x57: {  	_ =	swait.ge [sflag:s5], $0x7000  }
0x58: {  	[sflag:s5] =	ssyncset.done $0x0  }
0x59: {  	[sflag:s5] =	ssyncadd.s32 $0xFFFF9000  }
0x5a: {  	[tilespmem:s6], [sflag:$0x2] =	stream.indirect.gather [hbm4b:s3+s12], $0x80, s22, s12, $0xb8;
	[tilespmem:$0x1CC80] =	vst v63  }
0x5b: {  	_ =	swait.ge [sflag:s15], $0x7000  }
0x5c: {  	[sflag:s15] =	ssyncset.done $0x0  }
0x5d: {  	s0 =	rddreg [dreg:$0xb];
	[sflag:s15] =	ssyncadd.s32 $0xFFFF9000  }
0x5e: {  	[hbm4b:s0+s2] =	stream.linear.scatter [tilespmem:s13], [sflag:$0x8], $0x7000, $0x38;
	[tilespmem:$0x1CC80] =	vst v63  }
0x5f: {  	_ =	swait.ge [sflag:s11], $0x7000  }
0x60: {  	[sflag:s11] =	ssyncset.done $0x0  }
0x61: {  	[sflag:s11] =	ssyncadd.s32 $0xFFFF9000  }
0x62: {  	[tilespmem:s14], [sflag:$0x3] =	stream.indirect.gather [hbm4b:s3+s12], $0x80, s20, s12, $0xb8;
	[tilespmem:$0x1CC80] =	vst v63  }
0x63: {  	_ =	swait.ge [sflag:s9], $0x7000  }
0x64: {  	[sflag:s9] =	ssyncset.done $0x0  }
0x65: {  	s0 =	rddreg [dreg:$0xc];
	[sflag:s9] =	ssyncadd.s32 $0xFFFF9000  }
0x66: {  	[hbm4b:s0+s2] =	stream.linear.scatter [tilespmem:s7], [sflag:$0x5], $0x7000, $0x38;
	[tilespmem:$0x1CC80] =	vst v63  }
0x67: {  	_ =	swait.ge [sflag:s10], $0x7000  }
0x68: {  	[sflag:s10] =	ssyncset.done $0x0  }
0x69: {  	[sflag:s10] =	ssyncadd.s32 $0xFFFF9000  }
0x6a: {  	[tilespmem:s13], [sflag:$0x4] =	stream.indirect.gather [hbm4b:s3+s12], $0x80, s19, s12, $0xb8;
	[tilespmem:$0x1CC80] =	vst v63  }
0x6b: {  	_ =	swait.ge [sflag:s8], $0x7000  }
0x6c: {  	[sflag:s8] =	ssyncset.done $0x0  }
0x6d: {  	s0 =	rddreg [dreg:$0xd];
	[sflag:s8] =	ssyncadd.s32 $0xFFFF9000  }
0x6e: {  	[hbm4b:s0+s2] =	stream.linear.scatter [tilespmem:s6], [sflag:$0x6], $0x7000, $0x38;
	[tilespmem:$0x1CC80] =	vst v63  }
0x6f: {  	_ =	swait.ge [sflag:s4], $0x7000  }
0x70: {  	[sflag:s4] =	ssyncset.done $0x0  }
0x71: {  	[sflag:s4] =	ssyncadd.s32 $0xFFFF9000  }
0x72: {  	[tilespmem:s7], [sflag:$0x1] =	stream.indirect.gather [hbm4b:s3+s12], $0x80, s18, s12, $0xb8;
	[tilespmem:$0x1CC80] =	vst v63  }
0x73: {  	_ =	swait.ge [sflag:s16], $0x7000  }
0x74: {  	[sflag:s16] =	ssyncset.done $0x0  }
0x75: {  	s0 =	rddreg [dreg:$0xe];
	[sflag:s16] =	ssyncadd.s32 $0xFFFF9000  }
0x76: {  	[hbm4b:s0+s2] =	stream.linear.scatter [tilespmem:s14], [sflag:$0x7], $0x7000, $0x38;
	[tilespmem:$0x1CC80] =	vst v63  }
0x77: {  	_ =	swait.ge [sflag:s5], $0x7000  }
0x78: {  	[sflag:s5] =	ssyncset.done $0x0  }
0x79: {  	[sflag:s5] =	ssyncadd.s32 $0xFFFF9000  }
0x7a: {  	[tilespmem:s6], [sflag:$0x2] =	stream.indirect.gather [hbm4b:s3+s12], $0x80, s17, s12, $0xb8;
	[tilespmem:$0x1CC80] =	vst v63  }
0x7b: {  	_ =	swait.ge [sflag:s15], $0x7000  }
0x7c: {  	[sflag:s15] =	ssyncset.done $0x0  }
0x7d: {  	s0 =	rddreg [dreg:$0xf];
	[sflag:s15] =	ssyncadd.s32 $0xFFFF9000  }
0x7e: {  	[hbm4b:s0+s2] =	stream.linear.scatter [tilespmem:s13], [sflag:$0x8], $0x7000, $0x38;
	[tilespmem:$0x1CC80] =	vst v63  }
0x7f: {  	_ =	swait.ge [sflag:s9], $0x7000  }
0x80: {  	[sflag:s9] =	ssyncset.done $0x0  }
0x81: {  	s0 =	rddreg [dreg:$0x10];
	[sflag:s9] =	ssyncadd.s32 $0xFFFF9000  }
0x82: {  	[hbm4b:s0+s2] =	stream.linear.scatter [tilespmem:s7], [sflag:$0x5], $0x7000, $0x38;
	[tilespmem:$0x1CC80] =	vst v63  }
0x83: {  	_ =	swait.ge [sflag:s8], $0x7000  }
0x84: {  	[sflag:s8] =	ssyncset.done $0x0  }
0x85: {  	s0 =	rddreg [dreg:$0x11];
	[sflag:s8] =	ssyncadd.s32 $0xFFFF9000  }
0x86: {  	[hbm4b:s0+s2] =	stream.linear.scatter [tilespmem:s6], [sflag:$0x6], $0x7000, $0x38;
	[tilespmem:$0x1CC80] =	vst v63  }
0x87: {  	_ =	swait.ge [sflag:s11], $0x7000  }
0x88: {  	[sflag:s11] =	ssyncset.done $0x0  }
0x89: {  	[sflag:s11] =	ssyncadd.s32 $0xFFFF9000  }
0x8a: {  	_ =	swait.ge [sflag:s10], $0x7000  }
0x8b: {  	[sflag:s10] =	ssyncset.done $0x0  }
0x8c: {  	p1 =	sne.s32 s1, $0x1;
	[sflag:s10] =	ssyncadd.s32 $0xFFFF9000  }
.Ltmp1:
0x8d: {  	_ =	swait.ge [sflag:s4], $0x7000;
	(pc) =	sbr.rel @!p1 .LBB2_3-.Ltmp1, $4  }
0x8e: {  	[sflag:s4] =	ssyncset.done $0x0  }
0x8f: {  	[sflag:s4] =	ssyncadd.s32 $0xFFFF9000  }
0x90: {  	s1 =	sadd.s32 $0xFFFFFFFF, s1;
	_ =	swait.ge [sflag:s5], $0x7000  }
0x91: {  	p0 =	por $0x1, $0x1;
	s0 =	rddreg [dreg:$0x4];
	[sflag:s5] =	ssyncset.done $0x0  }
.LBB2_2:
0x92: {  	[sflag:s5] =	ssyncadd.s32 $0xFFFF9000  }
0x93: {  	[tilespmem:s2], [sflag:$0x9] =	stream.linear.gather [hbm4b:s0+s2], $0xC40, $0x38;
	[tilespmem:$0x1CC80] =	vst v63  }
0x94: {  	_ =	swait.ge [sflag:s30], $0xC40  }
0x95: {  	[sflag:s30] =	ssyncset.done $0x0  }
0x96: {  	[sflag:s30] =	ssyncadd.s32 $0xFFFFF3C0  }
0x97: {  	[tilespmem:s7], [sflag:$0x1] =	stream.indirect.gather [hbm4b:s3+s12], $0x80, s2, s12, $0xb8;
	[tilespmem:$0x1CC80] =	vst v63  }
0x98: {  	_ = 	snop  }
0x99: {  	[tilespmem:s6], [sflag:$0x2] =	stream.indirect.gather [hbm4b:s3+s12], $0x80, s12, s12, $0xb8;
	[tilespmem:$0x1CC80] =	vst v63  }
0x9a: {  	_ = 	snop  }
0x9b: {  	[tilespmem:s14], [sflag:$0x3] =	stream.indirect.gather [hbm4b:s3+s12], $0x80, s31, s12, $0xb8;
	[tilespmem:$0x1CC80] =	vst v63  }
0x9c: {  	_ =	swait.ge [sflag:s9], $0x7000  }
0x9d: {  	[sflag:s9] =	ssyncset.done $0x0  }
0x9e: {  	[sflag:s9] =	ssyncadd.s32 $0xFFFF9000  }
0x9f: {  	[hbm4b:s21+s2] =	stream.linear.scatter [tilespmem:s7], [sflag:$0x5], $0x7000, $0x38;
	[tilespmem:$0x1CC80] =	vst v63  }
0xa0: {  	_ = 	snop  }
0xa1: {  	[tilespmem:s13], [sflag:$0x4] =	stream.indirect.gather [hbm4b:s3+s12], $0x80, s29, s12, $0xb8;
	[tilespmem:$0x1CC80] =	vst v63  }
0xa2: {  	_ =	swait.ge [sflag:s8], $0x7000  }
0xa3: {  	[sflag:s8] =	ssyncset.done $0x0  }
0xa4: {  	s0 =	rddreg [dreg:$0x5];
	[sflag:s8] =	ssyncadd.s32 $0xFFFF9000  }
0xa5: {  	[hbm4b:s0+s2] =	stream.linear.scatter [tilespmem:s6], [sflag:$0x6], $0x7000, $0x38;
	[tilespmem:$0x1CC80] =	vst v63  }
0xa6: {  	_ =	swait.ge [sflag:s4], $0x7000  }
0xa7: {  	[sflag:s4] =	ssyncset.done $0x0  }
0xa8: {  	[sflag:s4] =	ssyncadd.s32 $0xFFFF9000  }
0xa9: {  	[tilespmem:s7], [sflag:$0x1] =	stream.indirect.gather [hbm4b:s3+s12], $0x80, s28, s12, $0xb8;
	[tilespmem:$0x1CC80] =	vst v63  }
0xaa: {  	_ =	swait.ge [sflag:s16], $0x7000  }
0xab: {  	[sflag:s16] =	ssyncset.done $0x0  }
0xac: {  	s0 =	rddreg [dreg:$0x6];
	[sflag:s16] =	ssyncadd.s32 $0xFFFF9000  }
0xad: {  	[hbm4b:s0+s2] =	stream.linear.scatter [tilespmem:s14], [sflag:$0x7], $0x7000, $0x38;
	[tilespmem:$0x1CC80] =	vst v63  }
0xae: {  	_ =	swait.ge [sflag:s5], $0x7000  }
0xaf: {  	[sflag:s5] =	ssyncset.done $0x0  }
0xb0: {  	[sflag:s5] =	ssyncadd.s32 $0xFFFF9000  }
0xb1: {  	[tilespmem:s6], [sflag:$0x2] =	stream.indirect.gather [hbm4b:s3+s12], $0x80, s26, s12, $0xb8;
	[tilespmem:$0x1CC80] =	vst v63  }
0xb2: {  	_ =	swait.ge [sflag:s15], $0x7000  }
0xb3: {  	[sflag:s15] =	ssyncset.done $0x0  }
0xb4: {  	s0 =	rddreg [dreg:$0x7];
	[sflag:s15] =	ssyncadd.s32 $0xFFFF9000  }
0xb5: {  	[hbm4b:s0+s2] =	stream.linear.scatter [tilespmem:s13], [sflag:$0x8], $0x7000, $0x38;
	[tilespmem:$0x1CC80] =	vst v63  }
0xb6: {  	_ =	swait.ge [sflag:s11], $0x7000  }
0xb7: {  	[sflag:s11] =	ssyncset.done $0x0  }
0xb8: {  	[sflag:s11] =	ssyncadd.s32 $0xFFFF9000  }
0xb9: {  	[tilespmem:s14], [sflag:$0x3] =	stream.indirect.gather [hbm4b:s3+s12], $0x80, s25, s12, $0xb8;
	[tilespmem:$0x1CC80] =	vst v63  }
0xba: {  	_ =	swait.ge [sflag:s9], $0x7000  }
0xbb: {  	[sflag:s9] =	ssyncset.done $0x0  }
0xbc: {  	s0 =	rddreg [dreg:$0x8];
	[sflag:s9] =	ssyncadd.s32 $0xFFFF9000  }
0xbd: {  	[hbm4b:s0+s2] =	stream.linear.scatter [tilespmem:s7], [sflag:$0x5], $0x7000, $0x38;
	[tilespmem:$0x1CC80] =	vst v63  }
0xbe: {  	_ =	swait.ge [sflag:s10], $0x7000  }
0xbf: {  	[sflag:s10] =	ssyncset.done $0x0  }
0xc0: {  	[sflag:s10] =	ssyncadd.s32 $0xFFFF9000  }
0xc1: {  	[tilespmem:s13], [sflag:$0x4] =	stream.indirect.gather [hbm4b:s3+s12], $0x80, s24, s12, $0xb8;
	[tilespmem:$0x1CC80] =	vst v63  }
0xc2: {  	_ =	swait.ge [sflag:s8], $0x7000  }
0xc3: {  	[sflag:s8] =	ssyncset.done $0x0  }
0xc4: {  	s0 =	rddreg [dreg:$0x9];
	[sflag:s8] =	ssyncadd.s32 $0xFFFF9000  }
0xc5: {  	[hbm4b:s0+s2] =	stream.linear.scatter [tilespmem:s6], [sflag:$0x6], $0x7000, $0x38;
	[tilespmem:$0x1CC80] =	vst v63  }
0xc6: {  	_ =	swait.ge [sflag:s4], $0x7000  }
0xc7: {  	[sflag:s4] =	ssyncset.done $0x0  }
0xc8: {  	[sflag:s4] =	ssyncadd.s32 $0xFFFF9000  }
0xc9: {  	[tilespmem:s7], [sflag:$0x1] =	stream.indirect.gather [hbm4b:s3+s12], $0x80, s23, s12, $0xb8;
	[tilespmem:$0x1CC80] =	vst v63  }
0xca: {  	_ =	swait.ge [sflag:s16], $0x7000  }
0xcb: {  	[sflag:s16] =	ssyncset.done $0x0  }
0xcc: {  	s0 =	rddreg [dreg:$0xa];
	[sflag:s16] =	ssyncadd.s32 $0xFFFF9000  }
0xcd: {  	[hbm4b:s0+s2] =	stream.linear.scatter [tilespmem:s14], [sflag:$0x7], $0x7000, $0x38;
	[tilespmem:$0x1CC80] =	vst v63  }
0xce: {  	_ =	swait.ge [sflag:s5], $0x7000  }
0xcf: {  	[sflag:s5] =	ssyncset.done $0x0  }
0xd0: {  	[sflag:s5] =	ssyncadd.s32 $0xFFFF9000  }
0xd1: {  	[tilespmem:s6], [sflag:$0x2] =	stream.indirect.gather [hbm4b:s3+s12], $0x80, s22, s12, $0xb8;
	[tilespmem:$0x1CC80] =	vst v63  }
0xd2: {  	_ =	swait.ge [sflag:s15], $0x7000  }
0xd3: {  	[sflag:s15] =	ssyncset.done $0x0  }
0xd4: {  	s0 =	rddreg [dreg:$0xb];
	[sflag:s15] =	ssyncadd.s32 $0xFFFF9000  }
0xd5: {  	[hbm4b:s0+s2] =	stream.linear.scatter [tilespmem:s13], [sflag:$0x8], $0x7000, $0x38;
	[tilespmem:$0x1CC80] =	vst v63  }
0xd6: {  	_ =	swait.ge [sflag:s11], $0x7000  }
0xd7: {  	[sflag:s11] =	ssyncset.done $0x0  }
0xd8: {  	[sflag:s11] =	ssyncadd.s32 $0xFFFF9000  }
0xd9: {  	[tilespmem:s14], [sflag:$0x3] =	stream.indirect.gather [hbm4b:s3+s12], $0x80, s20, s12, $0xb8;
	[tilespmem:$0x1CC80] =	vst v63  }
0xda: {  	_ =	swait.ge [sflag:s9], $0x7000  }
0xdb: {  	[sflag:s9] =	ssyncset.done $0x0  }
0xdc: {  	s0 =	rddreg [dreg:$0xc];
	[sflag:s9] =	ssyncadd.s32 $0xFFFF9000  }
0xdd: {  	[hbm4b:s0+s2] =	stream.linear.scatter [tilespmem:s7], [sflag:$0x5], $0x7000, $0x38;
	[tilespmem:$0x1CC80] =	vst v63  }
0xde: {  	_ =	swait.ge [sflag:s10], $0x7000  }
0xdf: {  	[sflag:s10] =	ssyncset.done $0x0  }
0xe0: {  	[sflag:s10] =	ssyncadd.s32 $0xFFFF9000  }
0xe1: {  	[tilespmem:s13], [sflag:$0x4] =	stream.indirect.gather [hbm4b:s3+s12], $0x80, s19, s12, $0xb8;
	[tilespmem:$0x1CC80] =	vst v63  }
0xe2: {  	_ =	swait.ge [sflag:s8], $0x7000  }
0xe3: {  	[sflag:s8] =	ssyncset.done $0x0  }
0xe4: {  	s0 =	rddreg [dreg:$0xd];
	[sflag:s8] =	ssyncadd.s32 $0xFFFF9000  }
0xe5: {  	[hbm4b:s0+s2] =	stream.linear.scatter [tilespmem:s6], [sflag:$0x6], $0x7000, $0x38;
	[tilespmem:$0x1CC80] =	vst v63  }
0xe6: {  	_ =	swait.ge [sflag:s4], $0x7000  }
0xe7: {  	[sflag:s4] =	ssyncset.done $0x0  }
0xe8: {  	[sflag:s4] =	ssyncadd.s32 $0xFFFF9000  }
0xe9: {  	[tilespmem:s7], [sflag:$0x1] =	stream.indirect.gather [hbm4b:s3+s12], $0x80, s18, s12, $0xb8;
	[tilespmem:$0x1CC80] =	vst v63  }
0xea: {  	_ =	swait.ge [sflag:s16], $0x7000  }
0xeb: {  	[sflag:s16] =	ssyncset.done $0x0  }
0xec: {  	s0 =	rddreg [dreg:$0xe];
	[sflag:s16] =	ssyncadd.s32 $0xFFFF9000  }
0xed: {  	[hbm4b:s0+s2] =	stream.linear.scatter [tilespmem:s14], [sflag:$0x7], $0x7000, $0x38;
	[tilespmem:$0x1CC80] =	vst v63  }
0xee: {  	_ =	swait.ge [sflag:s5], $0x7000  }
0xef: {  	[sflag:s5] =	ssyncset.done $0x0  }
0xf0: {  	[sflag:s5] =	ssyncadd.s32 $0xFFFF9000  }
0xf1: {  	[tilespmem:s6], [sflag:$0x2] =	stream.indirect.gather [hbm4b:s3+s12], $0x80, s17, s12, $0xb8;
	[tilespmem:$0x1CC80] =	vst v63  }
0xf2: {  	_ =	swait.ge [sflag:s15], $0x7000  }
0xf3: {  	[sflag:s15] =	ssyncset.done $0x0  }
0xf4: {  	s0 =	rddreg [dreg:$0xf];
	[sflag:s15] =	ssyncadd.s32 $0xFFFF9000  }
0xf5: {  	[hbm4b:s0+s2] =	stream.linear.scatter [tilespmem:s13], [sflag:$0x8], $0x7000, $0x38;
	[tilespmem:$0x1CC80] =	vst v63  }
0xf6: {  	_ =	swait.ge [sflag:s9], $0x7000  }
0xf7: {  	[sflag:s9] =	ssyncset.done $0x0  }
0xf8: {  	s0 =	rddreg [dreg:$0x10];
	[sflag:s9] =	ssyncadd.s32 $0xFFFF9000  }
0xf9: {  	[hbm4b:s0+s2] =	stream.linear.scatter [tilespmem:s7], [sflag:$0x5], $0x7000, $0x38;
	[tilespmem:$0x1CC80] =	vst v63  }
0xfa: {  	_ =	swait.ge [sflag:s8], $0x7000  }
0xfb: {  	[sflag:s8] =	ssyncset.done $0x0  }
0xfc: {  	s0 =	rddreg [dreg:$0x11];
	[sflag:s8] =	ssyncadd.s32 $0xFFFF9000  }
0xfd: {  	[hbm4b:s0+s2] =	stream.linear.scatter [tilespmem:s6], [sflag:$0x6], $0x7000, $0x38;
	[tilespmem:$0x1CC80] =	vst v63  }
0xfe: {  	_ =	swait.ge [sflag:s11], $0x7000  }
0xff: {  	[sflag:s11] =	ssyncset.done $0x0  }
0x100: {  	[sflag:s11] =	ssyncadd.s32 $0xFFFF9000  }
0x101: {  	_ =	swait.ge [sflag:s10], $0x7000  }
0x102: {  	[sflag:s10] =	ssyncset.done $0x0  }
0x103: {  	p1 =	sne.s32 s1, $0x1;
	[sflag:s10] =	ssyncadd.s32 $0xFFFF9000  }
.Ltmp2:
0x104: {  	_ =	swait.ge [sflag:s4], $0x7000;
	(pc) =	sbr.rel @p1 .LBB2_2-.Ltmp2, $4  }
0x105: {  	[sflag:s4] =	ssyncset.done $0x0  }
0x106: {  	[sflag:s4] =	ssyncadd.s32 $0xFFFF9000  }
0x107: {  	_ =	swait.ge [sflag:s5], $0x7000  }
0x108: {  	s1 =	sadd.s32 $0xFFFFFFFF, s1;
	s0 =	rddreg [dreg:$0x4];
	[sflag:s5] =	ssyncset.done $0x0  }
.LBB2_3:
0x109: {  	[sflag:s5] =	ssyncadd.s32 @p0 $0xFFFF9000  }
0x10a: {  	[tilespmem:s2], [sflag:$0x9] =	stream.linear.gather [hbm4b:s0+s2], $0xC40, $0x38;
	[tilespmem:$0x1CC80] =	vst v63  }
0x10b: {  	_ =	swait.ge [sflag:s30], $0xC40  }
0x10c: {  	[sflag:s30] =	ssyncset.done $0x0  }
0x10d: {  	[sflag:s30] =	ssyncadd.s32 $0xFFFFF3C0  }
0x10e: {  	[tilespmem:s7], [sflag:$0x1] =	stream.indirect.gather [hbm4b:s3+s12], $0x80, s2, s12, $0xb8;
	[tilespmem:$0x1CC80] =	vst v63  }
0x10f: {  	_ = 	snop  }
0x110: {  	[tilespmem:s6], [sflag:$0x2] =	stream.indirect.gather [hbm4b:s3+s12], $0x80, s12, s12, $0xb8;
	[tilespmem:$0x1CC80] =	vst v63  }
0x111: {  	_ = 	snop  }
0x112: {  	[tilespmem:s14], [sflag:$0x3] =	stream.indirect.gather [hbm4b:s3+s12], $0x80, s31, s12, $0xb8;
	[tilespmem:$0x1CC80] =	vst v63  }
0x113: {  	_ =	swait.ge [sflag:s9], $0x7000  }
0x114: {  	[sflag:s9] =	ssyncset.done $0x0  }
0x115: {  	[sflag:s9] =	ssyncadd.s32 $0xFFFF9000  }
0x116: {  	[hbm4b:s21+s2] =	stream.linear.scatter [tilespmem:s7], [sflag:$0x5], $0x7000, $0x38;
	[tilespmem:$0x1CC80] =	vst v63  }
0x117: {  	_ = 	snop  }
0x118: {  	[tilespmem:s13], [sflag:$0x4] =	stream.indirect.gather [hbm4b:s3+s12], $0x80, s29, s12, $0xb8;
	[tilespmem:$0x1CC80] =	vst v63  }
0x119: {  	_ =	swait.ge [sflag:s8], $0x7000  }
0x11a: {  	[sflag:s8] =	ssyncset.done $0x0  }
0x11b: {  	s21 =	rddreg [dreg:$0x5];
	[sflag:s8] =	ssyncadd.s32 $0xFFFF9000  }
0x11c: {  	[hbm4b:s21+s2] =	stream.linear.scatter [tilespmem:s6], [sflag:$0x6], $0x7000, $0x38;
	[tilespmem:$0x1CC80] =	vst v63  }
0x11d: {  	_ =	swait.ge [sflag:s4], $0x7000  }
0x11e: {  	[sflag:s4] =	ssyncset.done $0x0  }
0x11f: {  	[sflag:s4] =	ssyncadd.s32 $0xFFFF9000  }
0x120: {  	[tilespmem:s7], [sflag:$0x1] =	stream.indirect.gather [hbm4b:s3+s12], $0x80, s28, s12, $0xb8;
	[tilespmem:$0x1CC80] =	vst v63  }
0x121: {  	_ =	swait.ge [sflag:s16], $0x7000  }
0x122: {  	[sflag:s16] =	ssyncset.done $0x0  }
0x123: {  	s29 =	rddreg [dreg:$0x6];
	[sflag:s16] =	ssyncadd.s32 $0xFFFF9000  }
0x124: {  	[hbm4b:s29+s2] =	stream.linear.scatter [tilespmem:s14], [sflag:$0x7], $0x7000, $0x38;
	[tilespmem:$0x1CC80] =	vst v63  }
0x125: {  	_ =	swait.ge [sflag:s5], $0x7000  }
0x126: {  	[sflag:s5] =	ssyncset.done $0x0  }
0x127: {  	[sflag:s5] =	ssyncadd.s32 $0xFFFF9000  }
0x128: {  	[tilespmem:s6], [sflag:$0x2] =	stream.indirect.gather [hbm4b:s3+s12], $0x80, s26, s12, $0xb8;
	[tilespmem:$0x1CC80] =	vst v63  }
0x129: {  	_ =	swait.ge [sflag:s15], $0x7000  }
0x12a: {  	[sflag:s15] =	ssyncset.done $0x0  }
0x12b: {  	s30 =	rddreg [dreg:$0x7];
	[sflag:s15] =	ssyncadd.s32 $0xFFFF9000  }
0x12c: {  	[hbm4b:s30+s2] =	stream.linear.scatter [tilespmem:s13], [sflag:$0x8], $0x7000, $0x38;
	[tilespmem:$0x1CC80] =	vst v63  }
0x12d: {  	_ =	swait.ge [sflag:s11], $0x7000  }
0x12e: {  	[sflag:s11] =	ssyncset.done $0x0  }
0x12f: {  	[sflag:s11] =	ssyncadd.s32 $0xFFFF9000  }
0x130: {  	[tilespmem:s14], [sflag:$0x3] =	stream.indirect.gather [hbm4b:s3+s12], $0x80, s25, s12, $0xb8;
	[tilespmem:$0x1CC80] =	vst v63  }
0x131: {  	_ =	swait.ge [sflag:s9], $0x7000  }
0x132: {  	[sflag:s9] =	ssyncset.done $0x0  }
0x133: {  	s31 =	rddreg [dreg:$0x8];
	[sflag:s9] =	ssyncadd.s32 $0xFFFF9000  }
0x134: {  	[hbm4b:s31+s2] =	stream.linear.scatter [tilespmem:s7], [sflag:$0x5], $0x7000, $0x38;
	[tilespmem:$0x1CC80] =	vst v63  }
0x135: {  	_ =	swait.ge [sflag:s10], $0x7000  }
0x136: {  	[sflag:s10] =	ssyncset.done $0x0  }
0x137: {  	[sflag:s10] =	ssyncadd.s32 $0xFFFF9000  }
0x138: {  	[tilespmem:s13], [sflag:$0x4] =	stream.indirect.gather [hbm4b:s3+s12], $0x80, s24, s12, $0xb8;
	[tilespmem:$0x1CC80] =	vst v63  }
0x139: {  	_ =	swait.ge [sflag:s8], $0x7000  }
0x13a: {  	[sflag:s8] =	ssyncset.done $0x0  }
0x13b: {  	s1 =	rddreg [dreg:$0x9];
	[sflag:s8] =	ssyncadd.s32 $0xFFFF9000  }
0x13c: {  	[hbm4b:s1+s2] =	stream.linear.scatter [tilespmem:s6], [sflag:$0x6], $0x7000, $0x38;
	[tilespmem:$0x1CC80] =	vst v63  }
0x13d: {  	_ =	swait.ge [sflag:s4], $0x7000  }
0x13e: {  	[sflag:s4] =	ssyncset.done $0x0  }
0x13f: {  	[sflag:s4] =	ssyncadd.s32 $0xFFFF9000  }
0x140: {  	[tilespmem:s7], [sflag:$0x1] =	stream.indirect.gather [hbm4b:s3+s12], $0x80, s23, s12, $0xb8;
	[tilespmem:$0x1CC80] =	vst v63  }
0x141: {  	_ =	swait.ge [sflag:s16], $0x7000  }
0x142: {  	[sflag:s16] =	ssyncset.done $0x0  }
0x143: {  	s21 =	rddreg [dreg:$0xa];
	[sflag:s16] =	ssyncadd.s32 $0xFFFF9000  }
0x144: {  	[hbm4b:s21+s2] =	stream.linear.scatter [tilespmem:s14], [sflag:$0x7], $0x7000, $0x38;
	[tilespmem:$0x1CC80] =	vst v63  }
0x145: {  	_ =	swait.ge [sflag:s5], $0x7000  }
0x146: {  	[sflag:s5] =	ssyncset.done $0x0  }
0x147: {  	[sflag:s5] =	ssyncadd.s32 $0xFFFF9000  }
0x148: {  	[tilespmem:s6], [sflag:$0x2] =	stream.indirect.gather [hbm4b:s3+s12], $0x80, s22, s12, $0xb8;
	[tilespmem:$0x1CC80] =	vst v63  }
0x149: {  	_ =	swait.ge [sflag:s15], $0x7000  }
0x14a: {  	[sflag:s15] =	ssyncset.done $0x0  }
0x14b: {  	s23 =	rddreg [dreg:$0xb];
	[sflag:s15] =	ssyncadd.s32 $0xFFFF9000  }
0x14c: {  	[hbm4b:s23+s2] =	stream.linear.scatter [tilespmem:s13], [sflag:$0x8], $0x7000, $0x38;
	[tilespmem:$0x1CC80] =	vst v63  }
0x14d: {  	_ =	swait.ge [sflag:s11], $0x7000  }
0x14e: {  	[sflag:s11] =	ssyncset.done $0x0  }
0x14f: {  	[sflag:s11] =	ssyncadd.s32 $0xFFFF9000  }
0x150: {  	[tilespmem:s14], [sflag:$0x3] =	stream.indirect.gather [hbm4b:s3+s12], $0x80, s20, s12, $0xb8;
	[tilespmem:$0x1CC80] =	vst v63  }
0x151: {  	_ =	swait.ge [sflag:s9], $0x7000  }
0x152: {  	[sflag:s9] =	ssyncset.done $0x0  }
0x153: {  	s24 =	rddreg [dreg:$0xc];
	[sflag:s9] =	ssyncadd.s32 $0xFFFF9000  }
0x154: {  	[hbm4b:s24+s2] =	stream.linear.scatter [tilespmem:s7], [sflag:$0x5], $0x7000, $0x38;
	[tilespmem:$0x1CC80] =	vst v63  }
0x155: {  	_ =	swait.ge [sflag:s10], $0x7000  }
0x156: {  	[sflag:s10] =	ssyncset.done $0x0  }
0x157: {  	[sflag:s10] =	ssyncadd.s32 $0xFFFF9000  }
0x158: {  	[tilespmem:s13], [sflag:$0x4] =	stream.indirect.gather [hbm4b:s3+s12], $0x80, s19, s12, $0xb8;
	[tilespmem:$0x1CC80] =	vst v63  }
0x159: {  	_ =	swait.ge [sflag:s8], $0x7000  }
0x15a: {  	[sflag:s8] =	ssyncset.done $0x0  }
0x15b: {  	s25 =	rddreg [dreg:$0xd];
	[sflag:s8] =	ssyncadd.s32 $0xFFFF9000  }
0x15c: {  	[hbm4b:s25+s2] =	stream.linear.scatter [tilespmem:s6], [sflag:$0x6], $0x7000, $0x38;
	[tilespmem:$0x1CC80] =	vst v63  }
0x15d: {  	_ =	swait.ge [sflag:s4], $0x7000  }
0x15e: {  	[sflag:s4] =	ssyncset.done $0x0  }
0x15f: {  	[sflag:s4] =	ssyncadd.s32 $0xFFFF9000  }
0x160: {  	[tilespmem:s7], [sflag:$0x1] =	stream.indirect.gather [hbm4b:s3+s12], $0x80, s18, s12, $0xb8;
	[tilespmem:$0x1CC80] =	vst v63  }
0x161: {  	_ =	swait.ge [sflag:s16], $0x7000  }
0x162: {  	[sflag:s16] =	ssyncset.done $0x0  }
0x163: {  	s26 =	rddreg [dreg:$0xe];
	[sflag:s16] =	ssyncadd.s32 $0xFFFF9000  }
0x164: {  	[hbm4b:s26+s2] =	stream.linear.scatter [tilespmem:s14], [sflag:$0x7], $0x7000, $0x38;
	[tilespmem:$0x1CC80] =	vst v63  }
0x165: {  	_ =	swait.ge [sflag:s5], $0x7000  }
0x166: {  	[sflag:s5] =	ssyncset.done $0x0  }
0x167: {  	[sflag:s5] =	ssyncadd.s32 $0xFFFF9000  }
0x168: {  	[tilespmem:s6], [sflag:$0x2] =	stream.indirect.gather [hbm4b:s3+s12], $0x80, s17, s12, $0xb8;
	[tilespmem:$0x1CC80] =	vst v63  }
0x169: {  	_ =	swait.ge [sflag:s15], $0x7000  }
0x16a: {  	[sflag:s15] =	ssyncset.done $0x0  }
0x16b: {  	s28 =	rddreg [dreg:$0xf];
	[sflag:s15] =	ssyncadd.s32 $0xFFFF9000  }
0x16c: {  	[hbm4b:s28+s2] =	stream.linear.scatter [tilespmem:s13], [sflag:$0x8], $0x7000, $0x38;
	[tilespmem:$0x1CC80] =	vst v63  }
0x16d: {  	_ =	swait.ge [sflag:s9], $0x7000  }
0x16e: {  	[sflag:s9] =	ssyncset.done $0x0  }
0x16f: {  	s29 =	rddreg [dreg:$0x10];
	[sflag:s9] =	ssyncadd.s32 $0xFFFF9000  }
0x170: {  	[hbm4b:s29+s2] =	stream.linear.scatter [tilespmem:s7], [sflag:$0x5], $0x7000, $0x38;
	[tilespmem:$0x1CC80] =	vst v63  }
0x171: {  	_ =	swait.ge [sflag:s8], $0x7000  }
0x172: {  	[sflag:s8] =	ssyncset.done $0x0  }
0x173: {  	s30 =	rddreg [dreg:$0x11];
	[sflag:s8] =	ssyncadd.s32 $0xFFFF9000  }
0x174: {  	[hbm4b:s30+s2] =	stream.linear.scatter [tilespmem:s6], [sflag:$0x6], $0x7000, $0x38;
	[tilespmem:$0x1CC80] =	vst v63  }
0x175: {  	_ =	swait.ge [sflag:s11], $0x7000  }
0x176: {  	[sflag:s11] =	ssyncset.done $0x0  }
0x177: {  	[sflag:s11] =	ssyncadd.s32 $0xFFFF9000  }
0x178: {  	_ =	swait.ge [sflag:s10], $0x7000  }
0x179: {  	[sflag:s10] =	ssyncset.done $0x0  }
0x17a: {  	[sflag:s10] =	ssyncadd.s32 $0xFFFF9000  }
0x17b: {  	_ =	swait.ge [sflag:s4], $0x7000  }
0x17c: {  	[sflag:s4] =	ssyncset.done $0x0  }
0x17d: {  	[sflag:s4] =	ssyncadd.s32 $0xFFFF9000  }
0x17e: {  	_ =	swait.ge [sflag:s5], $0x7000  }
0x17f: {  	[sflag:s5] =	ssyncset.done $0x0  }
0x180: {  	[sflag:s5] =	ssyncadd.s32 $0xFFFF9000  }
0x181: {  	_ =	sfence.sel $0x180000  }
0x182: {  	[bflag:$0x0] =	sbarrier.arrive $0xFFFF  }
0x183: {  	_ =	strace $0x90000047  }
0x184: {  	s31 =	stileid.u32;
	[bflag:$0x2] =	sbarrier.arrive $0xFFFF  }
0x185: {  	p0 =	sne.s32 s31, $0x0;
	s0 =	rddreg [dreg:$0x3]  }
0x186: {  	s0 =	sadd.s32 @!p0 $0x100000, s0  }
0x187: {  	[sflag:s0] =	ssyncadd.tile.s32 @!p0 $0x1;
	_ =	shalt  }
.Lfunc_end2:
_tile_overlayer_lowered:
.L_overlay_start_2:
0x188: {  	(tag) =	ssettag $0x2  }
0x189: {  	s0 =	rddreg [dreg:$0x0];
	s2 =	stileid.u32  }
0x18a: {  	s1 =	rddreg [dreg:$0x1];
	p0 =	sne.s32 s2, $0x0  }
0x18b: {  	s3 =	rddreg [dreg:$0x2];
	[bflag:$0x3] =	sbarrier.arrive $0xFFFF;
	s2 =	simm.s32 @!p0 $0x1C09  }
0x18c: {  	[timem:s3], [sflag:s2] =	dma.local @!p0 [hbm:s0], s1  }
0x18d: {  	s0 =	simm.s32 @!p0 $0x9  }
0x18e: {  	_ =	swait.ge @!p0 [sflag:s0], s1  }
0x18f: {  	s1 =	ssub.s32 @!p0 $0x0, s1;
	[sflag:s0] =	ssyncset.done @!p0 $0x0  }
0x190: {  	[sflag:s0] =	ssyncadd.s32 @!p0 s1  }
0x191: {  	[bflag:$0x3] =	sbarrier.arrive $0xFFFF  }
0x192: {  	_ =	shalt  }

</sc_bundles>
